<compile_context>
chip_gen: v7x
topology: tpu7x:2x2x1
jax: 0.10.2.dev20260603
libtpu: 0.0.44.dev20260713+nightly
codegen_flags: <defaults>
</compile_context>

<pallas_src>
import functools

import jax
import jax.numpy as jnp
from jax import lax
from jax.experimental import pallas as pl
from jax.experimental.pallas import tpu as pltpu
from jax.experimental.pallas import tpu_sc as plsc

V = 1000000
D = 64
B = 16384
NC = 2
NS = 16
L = 16
NW = NC * NS
BPW = B // NW
NG = BPW // L


def _glove_body(cw_hbm, tw_hbm, co_hbm, wt_hbm, wc_hbm, wo_hbm, bv_hbm,
                bu_hbm, out_hbm, cidx_v, tidx_v, ce_v, te_v, bv_v, bu_v,
                co_v, wt_v, tp_v, accv_v, red_v, outrow_v, shared_v,
                sem1, sem2, sem3, sem4):
    c = lax.axis_index("c")
    s = lax.axis_index("s")
    wid = c * NS + s
    base = wid * BPW

    pltpu.sync_copy(cw_hbm.at[pl.ds(base, BPW)], cidx_v)
    pltpu.sync_copy(tw_hbm.at[pl.ds(base, BPW)], tidx_v)
    pltpu.sync_copy(co_hbm.at[pl.ds(base, BPW)], co_v)
    pltpu.sync_copy(wt_hbm.at[pl.ds(base, BPW)], wt_v)

    cp1 = pltpu.async_copy(wc_hbm.at[cidx_v], ce_v, sem1)
    cp2 = pltpu.async_copy(wo_hbm.at[tidx_v], te_v, sem2)
    cp3 = pltpu.async_copy(bv_hbm.at[cidx_v], bv_v, sem3)
    cp4 = pltpu.async_copy(bu_hbm.at[tidx_v], bu_v, sem4)
    cp1.wait()
    cp2.wait()
    cp3.wait()
    cp4.wait()

    iota16 = lax.iota(jnp.int32, L)

    def group_body(g, acc):
        gb = g * L
        for j in range(L):
            p = ce_v[gb + j, pl.ds(0, L)] * te_v[gb + j, pl.ds(0, L)]
            for k in range(1, D // L):
                p += (ce_v[gb + j, pl.ds(k * L, L)]
                      * te_v[gb + j, pl.ds(k * L, L)])
            tp_v[j, pl.ds(0, L)] = p
        dots = plsc.load_gather(tp_v, [iota16, jnp.zeros((L,), jnp.int32)])
        for col in range(1, L):
            dots += plsc.load_gather(
                tp_v, [iota16, jnp.full((L,), col, jnp.int32)])
        sv = dots + bv_v[pl.ds(gb, L)] + bu_v[pl.ds(gb, L)] - co_v[pl.ds(gb, L)]
        return acc + wt_v[pl.ds(gb, L)] * sv * sv

    acc = lax.fori_loop(0, NG, group_body, jnp.zeros((L,), jnp.float32))

    accv_v[...] = acc
    pltpu.sync_copy(accv_v, shared_v.at[s])
    plsc.subcore_barrier()

    @pl.when(s == 0)
    def _():
        pltpu.sync_copy(shared_v, red_v)
        t16 = red_v[0, pl.ds(0, L)]
        for i in range(1, NS):
            t16 += red_v[i, pl.ds(0, L)]
        total = jnp.sum(t16)
        outrow_v[...] = jnp.full((L,), total, jnp.float32)
        pltpu.sync_copy(outrow_v, out_hbm.at[c])


@jax.jit
def _glove(cw, tw, co, wt, wc, wo, bv, bu):
    mesh = plsc.VectorSubcoreMesh(core_axis_name="c", subcore_axis_name="s",
                                  num_cores=NC, num_subcores=NS)
    f = pl.kernel(
        _glove_body,
        out_type=jax.ShapeDtypeStruct((NC, L), jnp.float32),
        mesh=mesh,
        compiler_params=pltpu.CompilerParams(needs_layout_passes=False,
                                             use_tc_tiling_on_sc=False),
        scratch_types=[
            pltpu.VMEM((BPW,), jnp.int32),
            pltpu.VMEM((BPW,), jnp.int32),
            pltpu.VMEM((BPW, D), jnp.float32),
            pltpu.VMEM((BPW, D), jnp.float32),
            pltpu.VMEM((BPW,), jnp.float32),
            pltpu.VMEM((BPW,), jnp.float32),
            pltpu.VMEM((BPW,), jnp.float32),
            pltpu.VMEM((BPW,), jnp.float32),
            pltpu.VMEM((L, L + 1), jnp.float32),
            pltpu.VMEM((L,), jnp.float32),
            pltpu.VMEM((NS, L), jnp.float32),
            pltpu.VMEM((L,), jnp.float32),
            pltpu.VMEM_SHARED((NS, L), jnp.float32),
            pltpu.SemaphoreType.DMA,
            pltpu.SemaphoreType.DMA,
            pltpu.SemaphoreType.DMA,
            pltpu.SemaphoreType.DMA,
        ],
    )
    return f(cw, tw, co, wt, wc, wo, bv, bu)


def kernel(center_words, target_words, coocs, weighting, W_center, W_outside,
           b_v, b_u):
    cw = center_words.reshape(B).astype(jnp.int32)
    tw = target_words.reshape(B).astype(jnp.int32)
    co = coocs.reshape(B)
    wt = weighting.reshape(B)
    bv = b_v.reshape(V)
    bu = b_u.reshape(V)
    out = _glove(cw, tw, co, wt, W_center, W_outside, bv, bu)
    return out[0, 0] + out[1, 0]

# --- scband reference (transcript-rebuilt; emitter-appended) ---
"""Pipeline reference for scband-glo-ve-58420145160537 (READ-ONLY COPY).

The authoritative reference and input builder live on the scoring server;
editing this copy changes nothing except your own understanding.
"""

import jax, jax.numpy as jnp
import numpy as np

VOCAB = 1000000
EMBED = 64
BATCH = 16384

def setup_inputs(seed: int = 0) -> dict:
    key = jax.random.key(seed)
    k1, k2, k3, k4, k5, k6, k7, k8 = jax.random.split(key, 8)
    center_words = jax.random.randint(k1, (BATCH, 1), 0, VOCAB, dtype=jnp.int64 if jax.config.jax_enable_x64 else jnp.int32)
    target_words = jax.random.randint(k2, (BATCH, 1), 0, VOCAB, dtype=jnp.int64 if jax.config.jax_enable_x64 else jnp.int32)
    coocs = jax.random.uniform(k3, (BATCH, 1), dtype=jnp.float32)
    weighting = jax.random.uniform(k4, (BATCH, 1), dtype=jnp.float32)
    W_center = jax.random.normal(k5, (VOCAB, EMBED), dtype=jnp.float32)
    W_outside = jax.random.normal(k6, (VOCAB, EMBED), dtype=jnp.float32)
    b_v = jax.random.normal(k7, (VOCAB, 1), dtype=jnp.float32)
    b_u = jax.random.normal(k8, (VOCAB, 1), dtype=jnp.float32)
    return {"center_words": center_words, "target_words": target_words, "coocs": coocs, "weighting": weighting, "W_center": W_center, "W_outside": W_outside, "b_v": b_v, "b_u": b_u}

def reference(center_words, target_words, coocs, weighting, W_center, W_outside, b_v, b_u):
    # embedding lookups (gather)
    center_embeds = jnp.take(W_center, center_words, axis=0)   # [B, 1, d]
    target_embeds = jnp.take(W_outside, target_words, axis=0)  # [B, 1, d]
    center_bias = jnp.squeeze(jnp.take(b_v, center_words, axis=0), axis=1)  # [B, 1]
    target_bias = jnp.squeeze(jnp.take(b_u, target_words, axis=0), axis=1)  # [B, 1]
    # bmm: [B,1,d] @ [B,d,1] -> [B,1,1] -> squeeze(2) -> [B,1]
    inner_product = jnp.squeeze(jnp.matmul(target_embeds, jnp.swapaxes(center_embeds, 1, 2)), axis=2)
    loss = weighting * jnp.power(inner_product + center_bias + target_bias - coocs, 2)
    return jnp.sum(loss)

if __name__ == "__main__":
    import jax
    _d = setup_inputs()
    print(jax.jit(kernel)(*tuple(_d.values())))

</pallas_src>

<mosaic_0001>
#map = affine_map<(d0, d1) -> (0)>
#map1 = affine_map<(d0, d1) -> (0, 0)>
module attributes {stable_mosaic.version = 14 : i64} {
  func.func @_glove_body(%arg0: i32, %arg1: i32, %arg2: memref<16384xi32, #tpu.memory_space<hbm>>, %arg3: memref<16384xi32, #tpu.memory_space<hbm>>, %arg4: memref<16384xf32, #tpu.memory_space<hbm>>, %arg5: memref<16384xf32, #tpu.memory_space<hbm>>, %arg6: memref<1000000x64xf32, #tpu.memory_space<hbm>>, %arg7: memref<1000000x64xf32, #tpu.memory_space<hbm>>, %arg8: memref<1000000xf32, #tpu.memory_space<hbm>>, %arg9: memref<1000000xf32, #tpu.memory_space<hbm>>, %arg10: memref<2x16xf32, #tpu.memory_space<hbm>>, %arg11: memref<512xi32, #tpu.memory_space<vmem>>, %arg12: memref<512xi32, #tpu.memory_space<vmem>>, %arg13: memref<512x64xf32, #tpu.memory_space<vmem>>, %arg14: memref<512x64xf32, #tpu.memory_space<vmem>>, %arg15: memref<512xf32, #tpu.memory_space<vmem>>, %arg16: memref<512xf32, #tpu.memory_space<vmem>>, %arg17: memref<512xf32, #tpu.memory_space<vmem>>, %arg18: memref<512xf32, #tpu.memory_space<vmem>>, %arg19: memref<16x17xf32, #tpu.memory_space<vmem>>, %arg20: memref<16xf32, #tpu.memory_space<vmem>>, %arg21: memref<16x16xf32, #tpu.memory_space<vmem>>, %arg22: memref<16xf32, #tpu.memory_space<vmem>>, %arg23: memref<16x16xf32, #tpu.memory_space<vmem_shared>>, %arg24: memref<!tpu.dma_semaphore, #tpu.memory_space<semaphore_mem>>, %arg25: memref<!tpu.dma_semaphore, #tpu.memory_space<semaphore_mem>>, %arg26: memref<!tpu.dma_semaphore, #tpu.memory_space<semaphore_mem>>, %arg27: memref<!tpu.dma_semaphore, #tpu.memory_space<semaphore_mem>>) attributes {dimension_semantics = [#tpu.dimension_semantics<core_parallel>, #tpu.dimension_semantics<subcore_parallel>], iteration_bounds = array<i64: 2, 16>, scalar_prefetch = 0 : i64, scratch_operands = 17 : i64, tpu.core_type = #tpu.core_type<sc_vector_subcore>, window_params = [{transform_indices = #map}, {transform_indices = #map}, {transform_indices = #map}, {transform_indices = #map}, {transform_indices = #map1}, {transform_indices = #map1}, {transform_indices = #map}, {transform_indices = #map}, {transform_indices = #map1}]} {
    %mul3A = arith.constant 16 : i32
    %mul3A_0 = arith.muli %arg0, %mul3A : i32
    %add3A = arith.addi %mul3A_0, %arg1 : i32
    %mul3A_1 = arith.constant 512 : i32
    %mul3A_2 = arith.muli %add3A, %mul3A_1 : i32
    "tpu.region"() ({
      %run_scoped3A = tpu.sem_alloc : memref<!tpu.dma_semaphore, #tpu.memory_space<semaphore_mem>>
      %dma_start3A_30 = tpu.memref_slice %arg2[%mul3A_2] : memref<16384xi32, #tpu.memory_space<hbm>> -> memref<512xi32, #tpu.memory_space<hbm>>
      %dma_start3A_31 = tpu.memref_slice %arg2[%mul3A_2] : memref<16384xi32, #tpu.memory_space<hbm>> -> memref<512xi32, #tpu.memory_space<hbm>>
      tpu.enqueue_dma source(%dma_start3A_31 : memref<512xi32, #tpu.memory_space<hbm>>) target(%arg11 : memref<512xi32, #tpu.memory_space<vmem>>) target_semaphore(%run_scoped3A : memref<!tpu.dma_semaphore, #tpu.memory_space<semaphore_mem>>)
      %dma_wait3A_32 = tpu.memref_slice %arg2[%mul3A_2] : memref<16384xi32, #tpu.memory_space<hbm>> -> memref<512xi32, #tpu.memory_space<hbm>>
      %dma_wait3A_33 = tpu.memref_slice %arg2[%mul3A_2] : memref<16384xi32, #tpu.memory_space<hbm>> -> memref<512xi32, #tpu.memory_space<hbm>>
      tpu.wait_dma2 semaphore(%run_scoped3A : memref<!tpu.dma_semaphore, #tpu.memory_space<semaphore_mem>>) src(%dma_wait3A_33 : memref<512xi32, #tpu.memory_space<hbm>>) dst(%arg11 : memref<512xi32, #tpu.memory_space<vmem>>)
      tpu.yield
    }) : () -> ()
    "tpu.region"() ({
      %run_scoped3A = tpu.sem_alloc : memref<!tpu.dma_semaphore, #tpu.memory_space<semaphore_mem>>
      %dma_start3A_30 = tpu.memref_slice %arg3[%mul3A_2] : memref<16384xi32, #tpu.memory_space<hbm>> -> memref<512xi32, #tpu.memory_space<hbm>>
      %dma_start3A_31 = tpu.memref_slice %arg3[%mul3A_2] : memref<16384xi32, #tpu.memory_space<hbm>> -> memref<512xi32, #tpu.memory_space<hbm>>
      tpu.enqueue_dma source(%dma_start3A_31 : memref<512xi32, #tpu.memory_space<hbm>>) target(%arg12 : memref<512xi32, #tpu.memory_space<vmem>>) target_semaphore(%run_scoped3A : memref<!tpu.dma_semaphore, #tpu.memory_space<semaphore_mem>>)
      %dma_wait3A_32 = tpu.memref_slice %arg3[%mul3A_2] : memref<16384xi32, #tpu.memory_space<hbm>> -> memref<512xi32, #tpu.memory_space<hbm>>
      %dma_wait3A_33 = tpu.memref_slice %arg3[%mul3A_2] : memref<16384xi32, #tpu.memory_space<hbm>> -> memref<512xi32, #tpu.memory_space<hbm>>
      tpu.wait_dma2 semaphore(%run_scoped3A : memref<!tpu.dma_semaphore, #tpu.memory_space<semaphore_mem>>) src(%dma_wait3A_33 : memref<512xi32, #tpu.memory_space<hbm>>) dst(%arg12 : memref<512xi32, #tpu.memory_space<vmem>>)
      tpu.yield
    }) : () -> ()
    "tpu.region"() ({
      %run_scoped3A = tpu.sem_alloc : memref<!tpu.dma_semaphore, #tpu.memory_space<semaphore_mem>>
      %dma_start3A_30 = tpu.memref_slice %arg4[%mul3A_2] : memref<16384xf32, #tpu.memory_space<hbm>> -> memref<512xf32, #tpu.memory_space<hbm>>
      %dma_start3A_31 = tpu.memref_slice %arg4[%mul3A_2] : memref<16384xf32, #tpu.memory_space<hbm>> -> memref<512xf32, #tpu.memory_space<hbm>>
      tpu.enqueue_dma source(%dma_start3A_31 : memref<512xf32, #tpu.memory_space<hbm>>) target(%arg17 : memref<512xf32, #tpu.memory_space<vmem>>) target_semaphore(%run_scoped3A : memref<!tpu.dma_semaphore, #tpu.memory_space<semaphore_mem>>)
      %dma_wait3A_32 = tpu.memref_slice %arg4[%mul3A_2] : memref<16384xf32, #tpu.memory_space<hbm>> -> memref<512xf32, #tpu.memory_space<hbm>>
      %dma_wait3A_33 = tpu.memref_slice %arg4[%mul3A_2] : memref<16384xf32, #tpu.memory_space<hbm>> -> memref<512xf32, #tpu.memory_space<hbm>>
      tpu.wait_dma2 semaphore(%run_scoped3A : memref<!tpu.dma_semaphore, #tpu.memory_space<semaphore_mem>>) src(%dma_wait3A_33 : memref<512xf32, #tpu.memory_space<hbm>>) dst(%arg17 : memref<512xf32, #tpu.memory_space<vmem>>)
      tpu.yield
    }) : () -> ()
    "tpu.region"() ({
      %run_scoped3A = tpu.sem_alloc : memref<!tpu.dma_semaphore, #tpu.memory_space<semaphore_mem>>
      %dma_start3A_30 = tpu.memref_slice %arg5[%mul3A_2] : memref<16384xf32, #tpu.memory_space<hbm>> -> memref<512xf32, #tpu.memory_space<hbm>>
      %dma_start3A_31 = tpu.memref_slice %arg5[%mul3A_2] : memref<16384xf32, #tpu.memory_space<hbm>> -> memref<512xf32, #tpu.memory_space<hbm>>
      tpu.enqueue_dma source(%dma_start3A_31 : memref<512xf32, #tpu.memory_space<hbm>>) target(%arg18 : memref<512xf32, #tpu.memory_space<vmem>>) target_semaphore(%run_scoped3A : memref<!tpu.dma_semaphore, #tpu.memory_space<semaphore_mem>>)
      %dma_wait3A_32 = tpu.memref_slice %arg5[%mul3A_2] : memref<16384xf32, #tpu.memory_space<hbm>> -> memref<512xf32, #tpu.memory_space<hbm>>
      %dma_wait3A_33 = tpu.memref_slice %arg5[%mul3A_2] : memref<16384xf32, #tpu.memory_space<hbm>> -> memref<512xf32, #tpu.memory_space<hbm>>
      tpu.wait_dma2 semaphore(%run_scoped3A : memref<!tpu.dma_semaphore, #tpu.memory_space<semaphore_mem>>) src(%dma_wait3A_33 : memref<512xf32, #tpu.memory_space<hbm>>) dst(%arg18 : memref<512xf32, #tpu.memory_space<vmem>>)
      tpu.yield
    }) : () -> ()
    %dma_start3A = arith.constant 0 : i32
    %dma_start3A_3 = arith.constant 0 : i32
    %dma_start3A_4 = tpu.memref_slice %arg6[%dma_start3A, %dma_start3A_3] : memref<1000000x64xf32, #tpu.memory_space<hbm>> -> memref<1000000x64xf32, #tpu.memory_space<hbm>>
    tpu.enqueue_indirect_dma source(%dma_start3A_4 : memref<1000000x64xf32, #tpu.memory_space<hbm>>) target(%arg13 : memref<512x64xf32, #tpu.memory_space<vmem>>) offsets(%arg11 : memref<512xi32, #tpu.memory_space<vmem>>) semaphore(%arg24 : memref<!tpu.dma_semaphore, #tpu.memory_space<semaphore_mem>>)
    %dma_start3A_5 = arith.constant 0 : i32
    %dma_start3A_6 = arith.constant 0 : i32
    %dma_start3A_7 = tpu.memref_slice %arg7[%dma_start3A_5, %dma_start3A_6] : memref<1000000x64xf32, #tpu.memory_space<hbm>> -> memref<1000000x64xf32, #tpu.memory_space<hbm>>
    tpu.enqueue_indirect_dma source(%dma_start3A_7 : memref<1000000x64xf32, #tpu.memory_space<hbm>>) target(%arg14 : memref<512x64xf32, #tpu.memory_space<vmem>>) offsets(%arg12 : memref<512xi32, #tpu.memory_space<vmem>>) semaphore(%arg25 : memref<!tpu.dma_semaphore, #tpu.memory_space<semaphore_mem>>)
    %dma_start3A_8 = arith.constant 0 : i32
    %dma_start3A_9 = tpu.memref_slice %arg8[%dma_start3A_8] : memref<1000000xf32, #tpu.memory_space<hbm>> -> memref<1000000xf32, #tpu.memory_space<hbm>>
    tpu.enqueue_indirect_dma source(%dma_start3A_9 : memref<1000000xf32, #tpu.memory_space<hbm>>) target(%arg15 : memref<512xf32, #tpu.memory_space<vmem>>) offsets(%arg11 : memref<512xi32, #tpu.memory_space<vmem>>) semaphore(%arg26 : memref<!tpu.dma_semaphore, #tpu.memory_space<semaphore_mem>>)
    %dma_start3A_10 = arith.constant 0 : i32
    %dma_start3A_11 = tpu.memref_slice %arg9[%dma_start3A_10] : memref<1000000xf32, #tpu.memory_space<hbm>> -> memref<1000000xf32, #tpu.memory_space<hbm>>
    tpu.enqueue_indirect_dma source(%dma_start3A_11 : memref<1000000xf32, #tpu.memory_space<hbm>>) target(%arg16 : memref<512xf32, #tpu.memory_space<vmem>>) offsets(%arg12 : memref<512xi32, #tpu.memory_space<vmem>>) semaphore(%arg27 : memref<!tpu.dma_semaphore, #tpu.memory_space<semaphore_mem>>)
    %dma_wait3A = arith.constant 0 : i32
    %dma_wait3A_12 = arith.constant 0 : i32
    %dma_wait3A_13 = tpu.memref_slice %arg6[%dma_wait3A, %dma_wait3A_12] : memref<1000000x64xf32, #tpu.memory_space<hbm>> -> memref<1000000x64xf32, #tpu.memory_space<hbm>>
    tpu.wait_indirect_dma semaphore(%arg24 : memref<!tpu.dma_semaphore, #tpu.memory_space<semaphore_mem>>) src(%dma_wait3A_13 : memref<1000000x64xf32, #tpu.memory_space<hbm>>) dst(%arg13 : memref<512x64xf32, #tpu.memory_space<vmem>>)
    %dma_wait3A_14 = arith.constant 0 : i32
    %dma_wait3A_15 = arith.constant 0 : i32
    %dma_wait3A_16 = tpu.memref_slice %arg7[%dma_wait3A_14, %dma_wait3A_15] : memref<1000000x64xf32, #tpu.memory_space<hbm>> -> memref<1000000x64xf32, #tpu.memory_space<hbm>>
    tpu.wait_indirect_dma semaphore(%arg25 : memref<!tpu.dma_semaphore, #tpu.memory_space<semaphore_mem>>) src(%dma_wait3A_16 : memref<1000000x64xf32, #tpu.memory_space<hbm>>) dst(%arg14 : memref<512x64xf32, #tpu.memory_space<vmem>>)
    %dma_wait3A_17 = arith.constant 0 : i32
    %dma_wait3A_18 = tpu.memref_slice %arg8[%dma_wait3A_17] : memref<1000000xf32, #tpu.memory_space<hbm>> -> memref<1000000xf32, #tpu.memory_space<hbm>>
    tpu.wait_indirect_dma semaphore(%arg26 : memref<!tpu.dma_semaphore, #tpu.memory_space<semaphore_mem>>) src(%dma_wait3A_18 : memref<1000000xf32, #tpu.memory_space<hbm>>) dst(%arg15 : memref<512xf32, #tpu.memory_space<vmem>>)
    %dma_wait3A_19 = arith.constant 0 : i32
    %dma_wait3A_20 = tpu.memref_slice %arg9[%dma_wait3A_19] : memref<1000000xf32, #tpu.memory_space<hbm>> -> memref<1000000xf32, #tpu.memory_space<hbm>>
    tpu.wait_indirect_dma semaphore(%arg27 : memref<!tpu.dma_semaphore, #tpu.memory_space<semaphore_mem>>) src(%dma_wait3A_20 : memref<1000000xf32, #tpu.memory_space<hbm>>) dst(%arg16 : memref<512xf32, #tpu.memory_space<vmem>>)
    %iota3A = tpu.iota {dimensions = array<i32: 0>} : vector<16xi32>
    %broadcast_in_dim3A = arith.constant 0.000000e+00 : f32
    %broadcast_in_dim3A_21 = vector.broadcast %broadcast_in_dim3A : f32 to vector<16xf32>
    %scan3A = arith.constant 0 : i32
    %scan3A_22 = arith.constant 32 : i32
    %scan3A_23 = arith.addi %scan3A, %scan3A_22 : i32
    %scan3A_24 = arith.constant 1 : i32
    %scan3A_25 = scf.for %scan3A_30 = %scan3A to %scan3A_23 step %scan3A_24 iter_args(%scan3A_31 = %broadcast_in_dim3A_21) -> (vector<16xf32>)  : i32 {
      %mul3A_32 = arith.constant 16 : i32
      %mul3A_33 = arith.muli %scan3A_30, %mul3A_32 : i32
      %add3A_34 = arith.constant 0 : i32
      %add3A_35 = arith.addi %mul3A_33, %add3A_34 : i32
      %get3A = arith.index_cast %add3A_35 : i32 to index
      %get3A_36 = arith.constant 0 : index
      %get3A_37 = tpu.vector_load %arg13[%get3A, %get3A_36] {strides = array<i32>} : memref<512x64xf32, #tpu.memory_space<vmem>>, vector<16xf32>,
      %add3A_38 = arith.constant 0 : i32
      %add3A_39 = arith.addi %mul3A_33, %add3A_38 : i32
      %get3A_40 = arith.index_cast %add3A_39 : i32 to index
      %get3A_41 = arith.constant 0 : index
      %get3A_42 = tpu.vector_load %arg14[%get3A_40, %get3A_41] {strides = array<i32>} : memref<512x64xf32, #tpu.memory_space<vmem>>, vector<16xf32>,
      %mul3A_43 = arith.mulf %get3A_37, %get3A_42 : vector<16xf32>
      %add3A_44 = arith.constant 0 : i32
      %add3A_45 = arith.addi %mul3A_33, %add3A_44 : i32
      %get3A_46 = arith.index_cast %add3A_45 : i32 to index
      %get3A_47 = arith.constant 16 : index
      %get3A_48 = tpu.vector_load %arg13[%get3A_46, %get3A_47] {strides = array<i32>} : memref<512x64xf32, #tpu.memory_space<vmem>>, vector<16xf32>,
      %add3A_49 = arith.constant 0 : i32
      %add3A_50 = arith.addi %mul3A_33, %add3A_49 : i32
      %get3A_51 = arith.index_cast %add3A_50 : i32 to index
      %get3A_52 = arith.constant 16 : index
      %get3A_53 = tpu.vector_load %arg14[%get3A_51, %get3A_52] {strides = array<i32>} : memref<512x64xf32, #tpu.memory_space<vmem>>, vector<16xf32>,
      %mul3A_54 = arith.mulf %get3A_48, %get3A_53 : vector<16xf32>
      %add3A_55 = arith.addf %mul3A_43, %mul3A_54 : vector<16xf32>
      %add3A_56 = arith.constant 0 : i32
      %add3A_57 = arith.addi %mul3A_33, %add3A_56 : i32
      %get3A_58 = arith.index_cast %add3A_57 : i32 to index
      %get3A_59 = arith.constant 32 : index
      %get3A_60 = tpu.vector_load %arg13[%get3A_58, %get3A_59] {strides = array<i32>} : memref<512x64xf32, #tpu.memory_space<vmem>>, vector<16xf32>,
      %add3A_61 = arith.constant 0 : i32
      %add3A_62 = arith.addi %mul3A_33, %add3A_61 : i32
      %get3A_63 = arith.index_cast %add3A_62 : i32 to index
      %get3A_64 = arith.constant 32 : index
      %get3A_65 = tpu.vector_load %arg14[%get3A_63, %get3A_64] {strides = array<i32>} : memref<512x64xf32, #tpu.memory_space<vmem>>, vector<16xf32>,
      %mul3A_66 = arith.mulf %get3A_60, %get3A_65 : vector<16xf32>
      %add3A_67 = arith.addf %add3A_55, %mul3A_66 : vector<16xf32>
      %add3A_68 = arith.constant 0 : i32
      %add3A_69 = arith.addi %mul3A_33, %add3A_68 : i32
      %get3A_70 = arith.index_cast %add3A_69 : i32 to index
      %get3A_71 = arith.constant 48 : index
      %get3A_72 = tpu.vector_load %arg13[%get3A_70, %get3A_71] {strides = array<i32>} : memref<512x64xf32, #tpu.memory_space<vmem>>, vector<16xf32>,
      %add3A_73 = arith.constant 0 : i32
      %add3A_74 = arith.addi %mul3A_33, %add3A_73 : i32
      %get3A_75 = arith.index_cast %add3A_74 : i32 to index
      %get3A_76 = arith.constant 48 : index
      %get3A_77 = tpu.vector_load %arg14[%get3A_75, %get3A_76] {strides = array<i32>} : memref<512x64xf32, #tpu.memory_space<vmem>>, vector<16xf32>,
      %mul3A_78 = arith.mulf %get3A_72, %get3A_77 : vector<16xf32>
      %add3A_79 = arith.addf %add3A_67, %mul3A_78 : vector<16xf32>
      %swap3A_80 = arith.constant 0 : i32
      %swap3A_81 = arith.index_cast %swap3A_80 : i32 to index
      %swap3A_82 = arith.constant 0 : index
      %swap3A_83 = tpu.vector_load %arg19[%swap3A_81, %swap3A_82] {strides = array<i32>} : memref<16x17xf32, #tpu.memory_space<vmem>>, vector<16xf32>,
      tpu.vector_store %arg19[%swap3A_81, %swap3A_82], %add3A_79 {strides = array<i32>} : memref<16x17xf32, #tpu.memory_space<vmem>>, vector<16xf32>,
      %add3A_84 = arith.constant 1 : i32
      %add3A_85 = arith.addi %mul3A_33, %add3A_84 : i32
      %get3A_86 = arith.index_cast %add3A_85 : i32 to index
      %get3A_87 = arith.constant 0 : index
      %get3A_88 = tpu.vector_load %arg13[%get3A_86, %get3A_87] {strides = array<i32>} : memref<512x64xf32, #tpu.memory_space<vmem>>, vector<16xf32>,
      %add3A_89 = arith.constant 1 : i32
      %add3A_90 = arith.addi %mul3A_33, %add3A_89 : i32
      %get3A_91 = arith.index_cast %add3A_90 : i32 to index
      %get3A_92 = arith.constant 0 : index
      %get3A_93 = tpu.vector_load %arg14[%get3A_91, %get3A_92] {strides = array<i32>} : memref<512x64xf32, #tpu.memory_space<vmem>>, vector<16xf32>,
      %mul3A_94 = arith.mulf %get3A_88, %get3A_93 : vector<16xf32>
      %add3A_95 = arith.constant 1 : i32
      %add3A_96 = arith.addi %mul3A_33, %add3A_95 : i32
      %get3A_97 = arith.index_cast %add3A_96 : i32 to index
      %get3A_98 = arith.constant 16 : index
      %get3A_99 = tpu.vector_load %arg13[%get3A_97, %get3A_98] {strides = array<i32>} : memref<512x64xf32, #tpu.memory_space<vmem>>, vector<16xf32>,
      %add3A_100 = arith.constant 1 : i32
      %add3A_101 = arith.addi %mul3A_33, %add3A_100 : i32
      %get3A_102 = arith.index_cast %add3A_101 : i32 to index
      %get3A_103 = arith.constant 16 : index
      %get3A_104 = tpu.vector_load %arg14[%get3A_102, %get3A_103] {strides = array<i32>} : memref<512x64xf32, #tpu.memory_space<vmem>>, vector<16xf32>,
      %mul3A_105 = arith.mulf %get3A_99, %get3A_104 : vector<16xf32>
      %add3A_106 = arith.addf %mul3A_94, %mul3A_105 : vector<16xf32>
      %add3A_107 = arith.constant 1 : i32
      %add3A_108 = arith.addi %mul3A_33, %add3A_107 : i32
      %get3A_109 = arith.index_cast %add3A_108 : i32 to index
      %get3A_110 = arith.constant 32 : index
      %get3A_111 = tpu.vector_load %arg13[%get3A_109, %get3A_110] {strides = array<i32>} : memref<512x64xf32, #tpu.memory_space<vmem>>, vector<16xf32>,
      %add3A_112 = arith.constant 1 : i32
      %add3A_113 = arith.addi %mul3A_33, %add3A_112 : i32
      %get3A_114 = arith.index_cast %add3A_113 : i32 to index
      %get3A_115 = arith.constant 32 : index
      %get3A_116 = tpu.vector_load %arg14[%get3A_114, %get3A_115] {strides = array<i32>} : memref<512x64xf32, #tpu.memory_space<vmem>>, vector<16xf32>,
      %mul3A_117 = arith.mulf %get3A_111, %get3A_116 : vector<16xf32>
      %add3A_118 = arith.addf %add3A_106, %mul3A_117 : vector<16xf32>
      %add3A_119 = arith.constant 1 : i32
      %add3A_120 = arith.addi %mul3A_33, %add3A_119 : i32
      %get3A_121 = arith.index_cast %add3A_120 : i32 to index
      %get3A_122 = arith.constant 48 : index
      %get3A_123 = tpu.vector_load %arg13[%get3A_121, %get3A_122] {strides = array<i32>} : memref<512x64xf32, #tpu.memory_space<vmem>>, vector<16xf32>,
      %add3A_124 = arith.constant 1 : i32
      %add3A_125 = arith.addi %mul3A_33, %add3A_124 : i32
      %get3A_126 = arith.index_cast %add3A_125 : i32 to index
      %get3A_127 = arith.constant 48 : index
      %get3A_128 = tpu.vector_load %arg14[%get3A_126, %get3A_127] {strides = array<i32>} : memref<512x64xf32, #tpu.memory_space<vmem>>, vector<16xf32>,
      %mul3A_129 = arith.mulf %get3A_123, %get3A_128 : vector<16xf32>
      %add3A_130 = arith.addf %add3A_118, %mul3A_129 : vector<16xf32>
      %swap3A_131 = arith.constant 1 : i32
      %swap3A_132 = arith.index_cast %swap3A_131 : i32 to index
      %swap3A_133 = arith.constant 0 : index
      %swap3A_134 = tpu.vector_load %arg19[%swap3A_132, %swap3A_133] {strides = array<i32>} : memref<16x17xf32, #tpu.memory_space<vmem>>, vector<16xf32>,
      tpu.vector_store %arg19[%swap3A_132, %swap3A_133], %add3A_130 {strides = array<i32>} : memref<16x17xf32, #tpu.memory_space<vmem>>, vector<16xf32>,
      %add3A_135 = arith.constant 2 : i32
      %add3A_136 = arith.addi %mul3A_33, %add3A_135 : i32
      %get3A_137 = arith.index_cast %add3A_136 : i32 to index
      %get3A_138 = arith.constant 0 : index
      %get3A_139 = tpu.vector_load %arg13[%get3A_137, %get3A_138] {strides = array<i32>} : memref<512x64xf32, #tpu.memory_space<vmem>>, vector<16xf32>,
      %add3A_140 = arith.constant 2 : i32
      %add3A_141 = arith.addi %mul3A_33, %add3A_140 : i32
      %get3A_142 = arith.index_cast %add3A_141 : i32 to index
      %get3A_143 = arith.constant 0 : index
      %get3A_144 = tpu.vector_load %arg14[%get3A_142, %get3A_143] {strides = array<i32>} : memref<512x64xf32, #tpu.memory_space<vmem>>, vector<16xf32>,
      %mul3A_145 = arith.mulf %get3A_139, %get3A_144 : vector<16xf32>
      %add3A_146 = arith.constant 2 : i32
      %add3A_147 = arith.addi %mul3A_33, %add3A_146 : i32
      %get3A_148 = arith.index_cast %add3A_147 : i32 to index
      %get3A_149 = arith.constant 16 : index
      %get3A_150 = tpu.vector_load %arg13[%get3A_148, %get3A_149] {strides = array<i32>} : memref<512x64xf32, #tpu.memory_space<vmem>>, vector<16xf32>,
      %add3A_151 = arith.constant 2 : i32
      %add3A_152 = arith.addi %mul3A_33, %add3A_151 : i32
      %get3A_153 = arith.index_cast %add3A_152 : i32 to index
      %get3A_154 = arith.constant 16 : index
      %get3A_155 = tpu.vector_load %arg14[%get3A_153, %get3A_154] {strides = array<i32>} : memref<512x64xf32, #tpu.memory_space<vmem>>, vector<16xf32>,
      %mul3A_156 = arith.mulf %get3A_150, %get3A_155 : vector<16xf32>
      %add3A_157 = arith.addf %mul3A_145, %mul3A_156 : vector<16xf32>
      %add3A_158 = arith.constant 2 : i32
      %add3A_159 = arith.addi %mul3A_33, %add3A_158 : i32
      %get3A_160 = arith.index_cast %add3A_159 : i32 to index
      %get3A_161 = arith.constant 32 : index
      %get3A_162 = tpu.vector_load %arg13[%get3A_160, %get3A_161] {strides = array<i32>} : memref<512x64xf32, #tpu.memory_space<vmem>>, vector<16xf32>,
      %add3A_163 = arith.constant 2 : i32
      %add3A_164 = arith.addi %mul3A_33, %add3A_163 : i32
      %get3A_165 = arith.index_cast %add3A_164 : i32 to index
      %get3A_166 = arith.constant 32 : index
      %get3A_167 = tpu.vector_load %arg14[%get3A_165, %get3A_166] {strides = array<i32>} : memref<512x64xf32, #tpu.memory_space<vmem>>, vector<16xf32>,
      %mul3A_168 = arith.mulf %get3A_162, %get3A_167 : vector<16xf32>
      %add3A_169 = arith.addf %add3A_157, %mul3A_168 : vector<16xf32>
      %add3A_170 = arith.constant 2 : i32
      %add3A_171 = arith.addi %mul3A_33, %add3A_170 : i32
      %get3A_172 = arith.index_cast %add3A_171 : i32 to index
      %get3A_173 = arith.constant 48 : index
      %get3A_174 = tpu.vector_load %arg13[%get3A_172, %get3A_173] {strides = array<i32>} : memref<512x64xf32, #tpu.memory_space<vmem>>, vector<16xf32>,
      %add3A_175 = arith.constant 2 : i32
      %add3A_176 = arith.addi %mul3A_33, %add3A_175 : i32
      %get3A_177 = arith.index_cast %add3A_176 : i32 to index
      %get3A_178 = arith.constant 48 : index
      %get3A_179 = tpu.vector_load %arg14[%get3A_177, %get3A_178] {strides = array<i32>} : memref<512x64xf32, #tpu.memory_space<vmem>>, vector<16xf32>,
      %mul3A_180 = arith.mulf %get3A_174, %get3A_179 : vector<16xf32>
      %add3A_181 = arith.addf %add3A_169, %mul3A_180 : vector<16xf32>
      %swap3A_182 = arith.constant 2 : i32
      %swap3A_183 = arith.index_cast %swap3A_182 : i32 to index
      %swap3A_184 = arith.constant 0 : index
      %swap3A_185 = tpu.vector_load %arg19[%swap3A_183, %swap3A_184] {strides = array<i32>} : memref<16x17xf32, #tpu.memory_space<vmem>>, vector<16xf32>,
      tpu.vector_store %arg19[%swap3A_183, %swap3A_184], %add3A_181 {strides = array<i32>} : memref<16x17xf32, #tpu.memory_space<vmem>>, vector<16xf32>,
      %add3A_186 = arith.constant 3 : i32
      %add3A_187 = arith.addi %mul3A_33, %add3A_186 : i32
      %get3A_188 = arith.index_cast %add3A_187 : i32 to index
      %get3A_189 = arith.constant 0 : index
      %get3A_190 = tpu.vector_load %arg13[%get3A_188, %get3A_189] {strides = array<i32>} : memref<512x64xf32, #tpu.memory_space<vmem>>, vector<16xf32>,
      %add3A_191 = arith.constant 3 : i32
      %add3A_192 = arith.addi %mul3A_33, %add3A_191 : i32
      %get3A_193 = arith.index_cast %add3A_192 : i32 to index
      %get3A_194 = arith.constant 0 : index
      %get3A_195 = tpu.vector_load %arg14[%get3A_193, %get3A_194] {strides = array<i32>} : memref<512x64xf32, #tpu.memory_space<vmem>>, vector<16xf32>,
      %mul3A_196 = arith.mulf %get3A_190, %get3A_195 : vector<16xf32>
      %add3A_197 = arith.constant 3 : i32
      %add3A_198 = arith.addi %mul3A_33, %add3A_197 : i32
      %get3A_199 = arith.index_cast %add3A_198 : i32 to index
      %get3A_200 = arith.constant 16 : index
      %get3A_201 = tpu.vector_load %arg13[%get3A_199, %get3A_200] {strides = array<i32>} : memref<512x64xf32, #tpu.memory_space<vmem>>, vector<16xf32>,
      %add3A_202 = arith.constant 3 : i32
      %add3A_203 = arith.addi %mul3A_33, %add3A_202 : i32
      %get3A_204 = arith.index_cast %add3A_203 : i32 to index
      %get3A_205 = arith.constant 16 : index
      %get3A_206 = tpu.vector_load %arg14[%get3A_204, %get3A_205] {strides = array<i32>} : memref<512x64xf32, #tpu.memory_space<vmem>>, vector<16xf32>,
      %mul3A_207 = arith.mulf %get3A_201, %get3A_206 : vector<16xf32>
      %add3A_208 = arith.addf %mul3A_196, %mul3A_207 : vector<16xf32>
      %add3A_209 = arith.constant 3 : i32
      %add3A_210 = arith.addi %mul3A_33, %add3A_209 : i32
      %get3A_211 = arith.index_cast %add3A_210 : i32 to index
      %get3A_212 = arith.constant 32 : index
      %get3A_213 = tpu.vector_load %arg13[%get3A_211, %get3A_212] {strides = array<i32>} : memref<512x64xf32, #tpu.memory_space<vmem>>, vector<16xf32>,
      %add3A_214 = arith.constant 3 : i32
      %add3A_215 = arith.addi %mul3A_33, %add3A_214 : i32
      %get3A_216 = arith.index_cast %add3A_215 : i32 to index
      %get3A_217 = arith.constant 32 : index
      %get3A_218 = tpu.vector_load %arg14[%get3A_216, %get3A_217] {strides = array<i32>} : memref<512x64xf32, #tpu.memory_space<vmem>>, vector<16xf32>,
      %mul3A_219 = arith.mulf %get3A_213, %get3A_218 : vector<16xf32>
      %add3A_220 = arith.addf %add3A_208, %mul3A_219 : vector<16xf32>
      %add3A_221 = arith.constant 3 : i32
      %add3A_222 = arith.addi %mul3A_33, %add3A_221 : i32
      %get3A_223 = arith.index_cast %add3A_222 : i32 to index
      %get3A_224 = arith.constant 48 : index
      %get3A_225 = tpu.vector_load %arg13[%get3A_223, %get3A_224] {strides = array<i32>} : memref<512x64xf32, #tpu.memory_space<vmem>>, vector<16xf32>,
      %add3A_226 = arith.constant 3 : i32
      %add3A_227 = arith.addi %mul3A_33, %add3A_226 : i32
      %get3A_228 = arith.index_cast %add3A_227 : i32 to index
      %get3A_229 = arith.constant 48 : index
      %get3A_230 = tpu.vector_load %arg14[%get3A_228, %get3A_229] {strides = array<i32>} : memref<512x64xf32, #tpu.memory_space<vmem>>, vector<16xf32>,
      %mul3A_231 = arith.mulf %get3A_225, %get3A_230 : vector<16xf32>
      %add3A_232 = arith.addf %add3A_220, %mul3A_231 : vector<16xf32>
      %swap3A_233 = arith.constant 3 : i32
      %swap3A_234 = arith.index_cast %swap3A_233 : i32 to index
      %swap3A_235 = arith.constant 0 : index
      %swap3A_236 = tpu.vector_load %arg19[%swap3A_234, %swap3A_235] {strides = array<i32>} : memref<16x17xf32, #tpu.memory_space<vmem>>, vector<16xf32>,
      tpu.vector_store %arg19[%swap3A_234, %swap3A_235], %add3A_232 {strides = array<i32>} : memref<16x17xf32, #tpu.memory_space<vmem>>, vector<16xf32>,
      %add3A_237 = arith.constant 4 : i32
      %add3A_238 = arith.addi %mul3A_33, %add3A_237 : i32
      %get3A_239 = arith.index_cast %add3A_238 : i32 to index
      %get3A_240 = arith.constant 0 : index
      %get3A_241 = tpu.vector_load %arg13[%get3A_239, %get3A_240] {strides = array<i32>} : memref<512x64xf32, #tpu.memory_space<vmem>>, vector<16xf32>,
      %add3A_242 = arith.constant 4 : i32
      %add3A_243 = arith.addi %mul3A_33, %add3A_242 : i32
      %get3A_244 = arith.index_cast %add3A_243 : i32 to index
      %get3A_245 = arith.constant 0 : index
      %get3A_246 = tpu.vector_load %arg14[%get3A_244, %get3A_245] {strides = array<i32>} : memref<512x64xf32, #tpu.memory_space<vmem>>, vector<16xf32>,
      %mul3A_247 = arith.mulf %get3A_241, %get3A_246 : vector<16xf32>
      %add3A_248 = arith.constant 4 : i32
      %add3A_249 = arith.addi %mul3A_33, %add3A_248 : i32
      %get3A_250 = arith.index_cast %add3A_249 : i32 to index
      %get3A_251 = arith.constant 16 : index
      %get3A_252 = tpu.vector_load %arg13[%get3A_250, %get3A_251] {strides = array<i32>} : memref<512x64xf32, #tpu.memory_space<vmem>>, vector<16xf32>,
      %add3A_253 = arith.constant 4 : i32
      %add3A_254 = arith.addi %mul3A_33, %add3A_253 : i32
      %get3A_255 = arith.index_cast %add3A_254 : i32 to index
      %get3A_256 = arith.constant 16 : index
      %get3A_257 = tpu.vector_load %arg14[%get3A_255, %get3A_256] {strides = array<i32>} : memref<512x64xf32, #tpu.memory_space<vmem>>, vector<16xf32>,
      %mul3A_258 = arith.mulf %get3A_252, %get3A_257 : vector<16xf32>
      %add3A_259 = arith.addf %mul3A_247, %mul3A_258 : vector<16xf32>
      %add3A_260 = arith.constant 4 : i32
      %add3A_261 = arith.addi %mul3A_33, %add3A_260 : i32
      %get3A_262 = arith.index_cast %add3A_261 : i32 to index
      %get3A_263 = arith.constant 32 : index
      %get3A_264 = tpu.vector_load %arg13[%get3A_262, %get3A_263] {strides = array<i32>} : memref<512x64xf32, #tpu.memory_space<vmem>>, vector<16xf32>,
      %add3A_265 = arith.constant 4 : i32
      %add3A_266 = arith.addi %mul3A_33, %add3A_265 : i32
      %get3A_267 = arith.index_cast %add3A_266 : i32 to index
      %get3A_268 = arith.constant 32 : index
      %get3A_269 = tpu.vector_load %arg14[%get3A_267, %get3A_268] {strides = array<i32>} : memref<512x64xf32, #tpu.memory_space<vmem>>, vector<16xf32>,
      %mul3A_270 = arith.mulf %get3A_264, %get3A_269 : vector<16xf32>
      %add3A_271 = arith.addf %add3A_259, %mul3A_270 : vector<16xf32>
      %add3A_272 = arith.constant 4 : i32
      %add3A_273 = arith.addi %mul3A_33, %add3A_272 : i32
      %get3A_274 = arith.index_cast %add3A_273 : i32 to index
      %get3A_275 = arith.constant 48 : index
      %get3A_276 = tpu.vector_load %arg13[%get3A_274, %get3A_275] {strides = array<i32>} : memref<512x64xf32, #tpu.memory_space<vmem>>, vector<16xf32>,
      %add3A_277 = arith.constant 4 : i32
      %add3A_278 = arith.addi %mul3A_33, %add3A_277 : i32
      %get3A_279 = arith.index_cast %add3A_278 : i32 to index
      %get3A_280 = arith.constant 48 : index
      %get3A_281 = tpu.vector_load %arg14[%get3A_279, %get3A_280] {strides = array<i32>} : memref<512x64xf32, #tpu.memory_space<vmem>>, vector<16xf32>,
      %mul3A_282 = arith.mulf %get3A_276, %get3A_281 : vector<16xf32>
      %add3A_283 = arith.addf %add3A_271, %mul3A_282 : vector<16xf32>
      %swap3A_284 = arith.constant 4 : i32
      %swap3A_285 = arith.index_cast %swap3A_284 : i32 to index
      %swap3A_286 = arith.constant 0 : index
      %swap3A_287 = tpu.vector_load %arg19[%swap3A_285, %swap3A_286] {strides = array<i32>} : memref<16x17xf32, #tpu.memory_space<vmem>>, vector<16xf32>,
      tpu.vector_store %arg19[%swap3A_285, %swap3A_286], %add3A_283 {strides = array<i32>} : memref<16x17xf32, #tpu.memory_space<vmem>>, vector<16xf32>,
      %add3A_288 = arith.constant 5 : i32
      %add3A_289 = arith.addi %mul3A_33, %add3A_288 : i32
      %get3A_290 = arith.index_cast %add3A_289 : i32 to index
      %get3A_291 = arith.constant 0 : index
      %get3A_292 = tpu.vector_load %arg13[%get3A_290, %get3A_291] {strides = array<i32>} : memref<512x64xf32, #tpu.memory_space<vmem>>, vector<16xf32>,
      %add3A_293 = arith.constant 5 : i32
      %add3A_294 = arith.addi %mul3A_33, %add3A_293 : i32
      %get3A_295 = arith.index_cast %add3A_294 : i32 to index
      %get3A_296 = arith.constant 0 : index
      %get3A_297 = tpu.vector_load %arg14[%get3A_295, %get3A_296] {strides = array<i32>} : memref<512x64xf32, #tpu.memory_space<vmem>>, vector<16xf32>,
      %mul3A_298 = arith.mulf %get3A_292, %get3A_297 : vector<16xf32>
      %add3A_299 = arith.constant 5 : i32
      %add3A_300 = arith.addi %mul3A_33, %add3A_299 : i32
      %get3A_301 = arith.index_cast %add3A_300 : i32 to index
      %get3A_302 = arith.constant 16 : index
      %get3A_303 = tpu.vector_load %arg13[%get3A_301, %get3A_302] {strides = array<i32>} : memref<512x64xf32, #tpu.memory_space<vmem>>, vector<16xf32>,
      %add3A_304 = arith.constant 5 : i32
      %add3A_305 = arith.addi %mul3A_33, %add3A_304 : i32
      %get3A_306 = arith.index_cast %add3A_305 : i32 to index
      %get3A_307 = arith.constant 16 : index
      %get3A_308 = tpu.vector_load %arg14[%get3A_306, %get3A_307] {strides = array<i32>} : memref<512x64xf32, #tpu.memory_space<vmem>>, vector<16xf32>,
      %mul3A_309 = arith.mulf %get3A_303, %get3A_308 : vector<16xf32>
      %add3A_310 = arith.addf %mul3A_298, %mul3A_309 : vector<16xf32>
      %add3A_311 = arith.constant 5 : i32
      %add3A_312 = arith.addi %mul3A_33, %add3A_311 : i32
      %get3A_313 = arith.index_cast %add3A_312 : i32 to index
      %get3A_314 = arith.constant 32 : index
      %get3A_315 = tpu.vector_load %arg13[%get3A_313, %get3A_314] {strides = array<i32>} : memref<512x64xf32, #tpu.memory_space<vmem>>, vector<16xf32>,
      %add3A_316 = arith.constant 5 : i32
      %add3A_317 = arith.addi %mul3A_33, %add3A_316 : i32
      %get3A_318 = arith.index_cast %add3A_317 : i32 to index
      %get3A_319 = arith.constant 32 : index
      %get3A_320 = tpu.vector_load %arg14[%get3A_318, %get3A_319] {strides = array<i32>} : memref<512x64xf32, #tpu.memory_space<vmem>>, vector<16xf32>,
      %mul3A_321 = arith.mulf %get3A_315, %get3A_320 : vector<16xf32>
      %add3A_322 = arith.addf %add3A_310, %mul3A_321 : vector<16xf32>
      %add3A_323 = arith.constant 5 : i32
      %add3A_324 = arith.addi %mul3A_33, %add3A_323 : i32
      %get3A_325 = arith.index_cast %add3A_324 : i32 to index
      %get3A_326 = arith.constant 48 : index
      %get3A_327 = tpu.vector_load %arg13[%get3A_325, %get3A_326] {strides = array<i32>} : memref<512x64xf32, #tpu.memory_space<vmem>>, vector<16xf32>,
      %add3A_328 = arith.constant 5 : i32
      %add3A_329 = arith.addi %mul3A_33, %add3A_328 : i32
      %get3A_330 = arith.index_cast %add3A_329 : i32 to index
      %get3A_331 = arith.constant 48 : index
      %get3A_332 = tpu.vector_load %arg14[%get3A_330, %get3A_331] {strides = array<i32>} : memref<512x64xf32, #tpu.memory_space<vmem>>, vector<16xf32>,
      %mul3A_333 = arith.mulf %get3A_327, %get3A_332 : vector<16xf32>
      %add3A_334 = arith.addf %add3A_322, %mul3A_333 : vector<16xf32>
      %swap3A_335 = arith.constant 5 : i32
      %swap3A_336 = arith.index_cast %swap3A_335 : i32 to index
      %swap3A_337 = arith.constant 0 : index
      %swap3A_338 = tpu.vector_load %arg19[%swap3A_336, %swap3A_337] {strides = array<i32>} : memref<16x17xf32, #tpu.memory_space<vmem>>, vector<16xf32>,
      tpu.vector_store %arg19[%swap3A_336, %swap3A_337], %add3A_334 {strides = array<i32>} : memref<16x17xf32, #tpu.memory_space<vmem>>, vector<16xf32>,
      %add3A_339 = arith.constant 6 : i32
      %add3A_340 = arith.addi %mul3A_33, %add3A_339 : i32
      %get3A_341 = arith.index_cast %add3A_340 : i32 to index
      %get3A_342 = arith.constant 0 : index
      %get3A_343 = tpu.vector_load %arg13[%get3A_341, %get3A_342] {strides = array<i32>} : memref<512x64xf32, #tpu.memory_space<vmem>>, vector<16xf32>,
      %add3A_344 = arith.constant 6 : i32
      %add3A_345 = arith.addi %mul3A_33, %add3A_344 : i32
      %get3A_346 = arith.index_cast %add3A_345 : i32 to index
      %get3A_347 = arith.constant 0 : index
      %get3A_348 = tpu.vector_load %arg14[%get3A_346, %get3A_347] {strides = array<i32>} : memref<512x64xf32, #tpu.memory_space<vmem>>, vector<16xf32>,
      %mul3A_349 = arith.mulf %get3A_343, %get3A_348 : vector<16xf32>
      %add3A_350 = arith.constant 6 : i32
      %add3A_351 = arith.addi %mul3A_33, %add3A_350 : i32
      %get3A_352 = arith.index_cast %add3A_351 : i32 to index
      %get3A_353 = arith.constant 16 : index
      %get3A_354 = tpu.vector_load %arg13[%get3A_352, %get3A_353] {strides = array<i32>} : memref<512x64xf32, #tpu.memory_space<vmem>>, vector<16xf32>,
      %add3A_355 = arith.constant 6 : i32
      %add3A_356 = arith.addi %mul3A_33, %add3A_355 : i32
      %get3A_357 = arith.index_cast %add3A_356 : i32 to index
      %get3A_358 = arith.constant 16 : index
      %get3A_359 = tpu.vector_load %arg14[%get3A_357, %get3A_358] {strides = array<i32>} : memref<512x64xf32, #tpu.memory_space<vmem>>, vector<16xf32>,
      %mul3A_360 = arith.mulf %get3A_354, %get3A_359 : vector<16xf32>
      %add3A_361 = arith.addf %mul3A_349, %mul3A_360 : vector<16xf32>
      %add3A_362 = arith.constant 6 : i32
      %add3A_363 = arith.addi %mul3A_33, %add3A_362 : i32
      %get3A_364 = arith.index_cast %add3A_363 : i32 to index
      %get3A_365 = arith.constant 32 : index
      %get3A_366 = tpu.vector_load %arg13[%get3A_364, %get3A_365] {strides = array<i32>} : memref<512x64xf32, #tpu.memory_space<vmem>>, vector<16xf32>,
      %add3A_367 = arith.constant 6 : i32
      %add3A_368 = arith.addi %mul3A_33, %add3A_367 : i32
      %get3A_369 = arith.index_cast %add3A_368 : i32 to index
      %get3A_370 = arith.constant 32 : index
      %get3A_371 = tpu.vector_load %arg14[%get3A_369, %get3A_370] {strides = array<i32>} : memref<512x64xf32, #tpu.memory_space<vmem>>, vector<16xf32>,
      %mul3A_372 = arith.mulf %get3A_366, %get3A_371 : vector<16xf32>
      %add3A_373 = arith.addf %add3A_361, %mul3A_372 : vector<16xf32>
      %add3A_374 = arith.constant 6 : i32
      %add3A_375 = arith.addi %mul3A_33, %add3A_374 : i32
      %get3A_376 = arith.index_cast %add3A_375 : i32 to index
      %get3A_377 = arith.constant 48 : index
      %get3A_378 = tpu.vector_load %arg13[%get3A_376, %get3A_377] {strides = array<i32>} : memref<512x64xf32, #tpu.memory_space<vmem>>, vector<16xf32>,
      %add3A_379 = arith.constant 6 : i32
      %add3A_380 = arith.addi %mul3A_33, %add3A_379 : i32
      %get3A_381 = arith.index_cast %add3A_380 : i32 to index
      %get3A_382 = arith.constant 48 : index
      %get3A_383 = tpu.vector_load %arg14[%get3A_381, %get3A_382] {strides = array<i32>} : memref<512x64xf32, #tpu.memory_space<vmem>>, vector<16xf32>,
      %mul3A_384 = arith.mulf %get3A_378, %get3A_383 : vector<16xf32>
      %add3A_385 = arith.addf %add3A_373, %mul3A_384 : vector<16xf32>
      %swap3A_386 = arith.constant 6 : i32
      %swap3A_387 = arith.index_cast %swap3A_386 : i32 to index
      %swap3A_388 = arith.constant 0 : index
      %swap3A_389 = tpu.vector_load %arg19[%swap3A_387, %swap3A_388] {strides = array<i32>} : memref<16x17xf32, #tpu.memory_space<vmem>>, vector<16xf32>,
      tpu.vector_store %arg19[%swap3A_387, %swap3A_388], %add3A_385 {strides = array<i32>} : memref<16x17xf32, #tpu.memory_space<vmem>>, vector<16xf32>,
      %add3A_390 = arith.constant 7 : i32
      %add3A_391 = arith.addi %mul3A_33, %add3A_390 : i32
      %get3A_392 = arith.index_cast %add3A_391 : i32 to index
      %get3A_393 = arith.constant 0 : index
      %get3A_394 = tpu.vector_load %arg13[%get3A_392, %get3A_393] {strides = array<i32>} : memref<512x64xf32, #tpu.memory_space<vmem>>, vector<16xf32>,
      %add3A_395 = arith.constant 7 : i32
      %add3A_396 = arith.addi %mul3A_33, %add3A_395 : i32
      %get3A_397 = arith.index_cast %add3A_396 : i32 to index
      %get3A_398 = arith.constant 0 : index
      %get3A_399 = tpu.vector_load %arg14[%get3A_397, %get3A_398] {strides = array<i32>} : memref<512x64xf32, #tpu.memory_space<vmem>>, vector<16xf32>,
      %mul3A_400 = arith.mulf %get3A_394, %get3A_399 : vector<16xf32>
      %add3A_401 = arith.constant 7 : i32
      %add3A_402 = arith.addi %mul3A_33, %add3A_401 : i32
      %get3A_403 = arith.index_cast %add3A_402 : i32 to index
      %get3A_404 = arith.constant 16 : index
      %get3A_405 = tpu.vector_load %arg13[%get3A_403, %get3A_404] {strides = array<i32>} : memref<512x64xf32, #tpu.memory_space<vmem>>, vector<16xf32>,
      %add3A_406 = arith.constant 7 : i32
      %add3A_407 = arith.addi %mul3A_33, %add3A_406 : i32
      %get3A_408 = arith.index_cast %add3A_407 : i32 to index
      %get3A_409 = arith.constant 16 : index
      %get3A_410 = tpu.vector_load %arg14[%get3A_408, %get3A_409] {strides = array<i32>} : memref<512x64xf32, #tpu.memory_space<vmem>>, vector<16xf32>,
      %mul3A_411 = arith.mulf %get3A_405, %get3A_410 : vector<16xf32>
      %add3A_412 = arith.addf %mul3A_400, %mul3A_411 : vector<16xf32>
      %add3A_413 = arith.constant 7 : i32
      %add3A_414 = arith.addi %mul3A_33, %add3A_413 : i32
      %get3A_415 = arith.index_cast %add3A_414 : i32 to index
      %get3A_416 = arith.constant 32 : index
      %get3A_417 = tpu.vector_load %arg13[%get3A_415, %get3A_416] {strides = array<i32>} : memref<512x64xf32, #tpu.memory_space<vmem>>, vector<16xf32>,
      %add3A_418 = arith.constant 7 : i32
      %add3A_419 = arith.addi %mul3A_33, %add3A_418 : i32
      %get3A_420 = arith.index_cast %add3A_419 : i32 to index
      %get3A_421 = arith.constant 32 : index
      %get3A_422 = tpu.vector_load %arg14[%get3A_420, %get3A_421] {strides = array<i32>} : memref<512x64xf32, #tpu.memory_space<vmem>>, vector<16xf32>,
      %mul3A_423 = arith.mulf %get3A_417, %get3A_422 : vector<16xf32>
      %add3A_424 = arith.addf %add3A_412, %mul3A_423 : vector<16xf32>
      %add3A_425 = arith.constant 7 : i32
      %add3A_426 = arith.addi %mul3A_33, %add3A_425 : i32
      %get3A_427 = arith.index_cast %add3A_426 : i32 to index
      %get3A_428 = arith.constant 48 : index
      %get3A_429 = tpu.vector_load %arg13[%get3A_427, %get3A_428] {strides = array<i32>} : memref<512x64xf32, #tpu.memory_space<vmem>>, vector<16xf32>,
      %add3A_430 = arith.constant 7 : i32
      %add3A_431 = arith.addi %mul3A_33, %add3A_430 : i32
      %get3A_432 = arith.index_cast %add3A_431 : i32 to index
      %get3A_433 = arith.constant 48 : index
      %get3A_434 = tpu.vector_load %arg14[%get3A_432, %get3A_433] {strides = array<i32>} : memref<512x64xf32, #tpu.memory_space<vmem>>, vector<16xf32>,
      %mul3A_435 = arith.mulf %get3A_429, %get3A_434 : vector<16xf32>
      %add3A_436 = arith.addf %add3A_424, %mul3A_435 : vector<16xf32>
      %swap3A_437 = arith.constant 7 : i32
      %swap3A_438 = arith.index_cast %swap3A_437 : i32 to index
      %swap3A_439 = arith.constant 0 : index
      %swap3A_440 = tpu.vector_load %arg19[%swap3A_438, %swap3A_439] {strides = array<i32>} : memref<16x17xf32, #tpu.memory_space<vmem>>, vector<16xf32>,
      tpu.vector_store %arg19[%swap3A_438, %swap3A_439], %add3A_436 {strides = array<i32>} : memref<16x17xf32, #tpu.memory_space<vmem>>, vector<16xf32>,
      %add3A_441 = arith.constant 8 : i32
      %add3A_442 = arith.addi %mul3A_33, %add3A_441 : i32
      %get3A_443 = arith.index_cast %add3A_442 : i32 to index
      %get3A_444 = arith.constant 0 : index
      %get3A_445 = tpu.vector_load %arg13[%get3A_443, %get3A_444] {strides = array<i32>} : memref<512x64xf32, #tpu.memory_space<vmem>>, vector<16xf32>,
      %add3A_446 = arith.constant 8 : i32
      %add3A_447 = arith.addi %mul3A_33, %add3A_446 : i32
      %get3A_448 = arith.index_cast %add3A_447 : i32 to index
      %get3A_449 = arith.constant 0 : index
      %get3A_450 = tpu.vector_load %arg14[%get3A_448, %get3A_449] {strides = array<i32>} : memref<512x64xf32, #tpu.memory_space<vmem>>, vector<16xf32>,
      %mul3A_451 = arith.mulf %get3A_445, %get3A_450 : vector<16xf32>
      %add3A_452 = arith.constant 8 : i32
      %add3A_453 = arith.addi %mul3A_33, %add3A_452 : i32
      %get3A_454 = arith.index_cast %add3A_453 : i32 to index
      %get3A_455 = arith.constant 16 : index
      %get3A_456 = tpu.vector_load %arg13[%get3A_454, %get3A_455] {strides = array<i32>} : memref<512x64xf32, #tpu.memory_space<vmem>>, vector<16xf32>,
      %add3A_457 = arith.constant 8 : i32
      %add3A_458 = arith.addi %mul3A_33, %add3A_457 : i32
      %get3A_459 = arith.index_cast %add3A_458 : i32 to index
      %get3A_460 = arith.constant 16 : index
      %get3A_461 = tpu.vector_load %arg14[%get3A_459, %get3A_460] {strides = array<i32>} : memref<512x64xf32, #tpu.memory_space<vmem>>, vector<16xf32>,
      %mul3A_462 = arith.mulf %get3A_456, %get3A_461 : vector<16xf32>
      %add3A_463 = arith.addf %mul3A_451, %mul3A_462 : vector<16xf32>
      %add3A_464 = arith.constant 8 : i32
      %add3A_465 = arith.addi %mul3A_33, %add3A_464 : i32
      %get3A_466 = arith.index_cast %add3A_465 : i32 to index
      %get3A_467 = arith.constant 32 : index
      %get3A_468 = tpu.vector_load %arg13[%get3A_466, %get3A_467] {strides = array<i32>} : memref<512x64xf32, #tpu.memory_space<vmem>>, vector<16xf32>,
      %add3A_469 = arith.constant 8 : i32
      %add3A_470 = arith.addi %mul3A_33, %add3A_469 : i32
      %get3A_471 = arith.index_cast %add3A_470 : i32 to index
      %get3A_472 = arith.constant 32 : index
      %get3A_473 = tpu.vector_load %arg14[%get3A_471, %get3A_472] {strides = array<i32>} : memref<512x64xf32, #tpu.memory_space<vmem>>, vector<16xf32>,
      %mul3A_474 = arith.mulf %get3A_468, %get3A_473 : vector<16xf32>
      %add3A_475 = arith.addf %add3A_463, %mul3A_474 : vector<16xf32>
      %add3A_476 = arith.constant 8 : i32
      %add3A_477 = arith.addi %mul3A_33, %add3A_476 : i32
      %get3A_478 = arith.index_cast %add3A_477 : i32 to index
      %get3A_479 = arith.constant 48 : index
      %get3A_480 = tpu.vector_load %arg13[%get3A_478, %get3A_479] {strides = array<i32>} : memref<512x64xf32, #tpu.memory_space<vmem>>, vector<16xf32>,
      %add3A_481 = arith.constant 8 : i32
      %add3A_482 = arith.addi %mul3A_33, %add3A_481 : i32
      %get3A_483 = arith.index_cast %add3A_482 : i32 to index
      %get3A_484 = arith.constant 48 : index
      %get3A_485 = tpu.vector_load %arg14[%get3A_483, %get3A_484] {strides = array<i32>} : memref<512x64xf32, #tpu.memory_space<vmem>>, vector<16xf32>,
      %mul3A_486 = arith.mulf %get3A_480, %get3A_485 : vector<16xf32>
      %add3A_487 = arith.addf %add3A_475, %mul3A_486 : vector<16xf32>
      %swap3A_488 = arith.constant 8 : i32
      %swap3A_489 = arith.index_cast %swap3A_488 : i32 to index
      %swap3A_490 = arith.constant 0 : index
      %swap3A_491 = tpu.vector_load %arg19[%swap3A_489, %swap3A_490] {strides = array<i32>} : memref<16x17xf32, #tpu.memory_space<vmem>>, vector<16xf32>,
      tpu.vector_store %arg19[%swap3A_489, %swap3A_490], %add3A_487 {strides = array<i32>} : memref<16x17xf32, #tpu.memory_space<vmem>>, vector<16xf32>,
      %add3A_492 = arith.constant 9 : i32
      %add3A_493 = arith.addi %mul3A_33, %add3A_492 : i32
      %get3A_494 = arith.index_cast %add3A_493 : i32 to index
      %get3A_495 = arith.constant 0 : index
      %get3A_496 = tpu.vector_load %arg13[%get3A_494, %get3A_495] {strides = array<i32>} : memref<512x64xf32, #tpu.memory_space<vmem>>, vector<16xf32>,
      %add3A_497 = arith.constant 9 : i32
      %add3A_498 = arith.addi %mul3A_33, %add3A_497 : i32
      %get3A_499 = arith.index_cast %add3A_498 : i32 to index
      %get3A_500 = arith.constant 0 : index
      %get3A_501 = tpu.vector_load %arg14[%get3A_499, %get3A_500] {strides = array<i32>} : memref<512x64xf32, #tpu.memory_space<vmem>>, vector<16xf32>,
      %mul3A_502 = arith.mulf %get3A_496, %get3A_501 : vector<16xf32>
      %add3A_503 = arith.constant 9 : i32
      %add3A_504 = arith.addi %mul3A_33, %add3A_503 : i32
      %get3A_505 = arith.index_cast %add3A_504 : i32 to index
      %get3A_506 = arith.constant 16 : index
      %get3A_507 = tpu.vector_load %arg13[%get3A_505, %get3A_506] {strides = array<i32>} : memref<512x64xf32, #tpu.memory_space<vmem>>, vector<16xf32>,
      %add3A_508 = arith.constant 9 : i32
      %add3A_509 = arith.addi %mul3A_33, %add3A_508 : i32
      %get3A_510 = arith.index_cast %add3A_509 : i32 to index
      %get3A_511 = arith.constant 16 : index
      %get3A_512 = tpu.vector_load %arg14[%get3A_510, %get3A_511] {strides = array<i32>} : memref<512x64xf32, #tpu.memory_space<vmem>>, vector<16xf32>,
      %mul3A_513 = arith.mulf %get3A_507, %get3A_512 : vector<16xf32>
      %add3A_514 = arith.addf %mul3A_502, %mul3A_513 : vector<16xf32>
      %add3A_515 = arith.constant 9 : i32
      %add3A_516 = arith.addi %mul3A_33, %add3A_515 : i32
      %get3A_517 = arith.index_cast %add3A_516 : i32 to index
      %get3A_518 = arith.constant 32 : index
      %get3A_519 = tpu.vector_load %arg13[%get3A_517, %get3A_518] {strides = array<i32>} : memref<512x64xf32, #tpu.memory_space<vmem>>, vector<16xf32>,
      %add3A_520 = arith.constant 9 : i32
      %add3A_521 = arith.addi %mul3A_33, %add3A_520 : i32
      %get3A_522 = arith.index_cast %add3A_521 : i32 to index
      %get3A_523 = arith.constant 32 : index
      %get3A_524 = tpu.vector_load %arg14[%get3A_522, %get3A_523] {strides = array<i32>} : memref<512x64xf32, #tpu.memory_space<vmem>>, vector<16xf32>,
      %mul3A_525 = arith.mulf %get3A_519, %get3A_524 : vector<16xf32>
      %add3A_526 = arith.addf %add3A_514, %mul3A_525 : vector<16xf32>
      %add3A_527 = arith.constant 9 : i32
      %add3A_528 = arith.addi %mul3A_33, %add3A_527 : i32
      %get3A_529 = arith.index_cast %add3A_528 : i32 to index
      %get3A_530 = arith.constant 48 : index
      %get3A_531 = tpu.vector_load %arg13[%get3A_529, %get3A_530] {strides = array<i32>} : memref<512x64xf32, #tpu.memory_space<vmem>>, vector<16xf32>,
      %add3A_532 = arith.constant 9 : i32
      %add3A_533 = arith.addi %mul3A_33, %add3A_532 : i32
      %get3A_534 = arith.index_cast %add3A_533 : i32 to index
      %get3A_535 = arith.constant 48 : index
      %get3A_536 = tpu.vector_load %arg14[%get3A_534, %get3A_535] {strides = array<i32>} : memref<512x64xf32, #tpu.memory_space<vmem>>, vector<16xf32>,
      %mul3A_537 = arith.mulf %get3A_531, %get3A_536 : vector<16xf32>
      %add3A_538 = arith.addf %add3A_526, %mul3A_537 : vector<16xf32>
      %swap3A_539 = arith.constant 9 : i32
      %swap3A_540 = arith.index_cast %swap3A_539 : i32 to index
      %swap3A_541 = arith.constant 0 : index
      %swap3A_542 = tpu.vector_load %arg19[%swap3A_540, %swap3A_541] {strides = array<i32>} : memref<16x17xf32, #tpu.memory_space<vmem>>, vector<16xf32>,
      tpu.vector_store %arg19[%swap3A_540, %swap3A_541], %add3A_538 {strides = array<i32>} : memref<16x17xf32, #tpu.memory_space<vmem>>, vector<16xf32>,
      %add3A_543 = arith.constant 10 : i32
      %add3A_544 = arith.addi %mul3A_33, %add3A_543 : i32
      %get3A_545 = arith.index_cast %add3A_544 : i32 to index
      %get3A_546 = arith.constant 0 : index
      %get3A_547 = tpu.vector_load %arg13[%get3A_545, %get3A_546] {strides = array<i32>} : memref<512x64xf32, #tpu.memory_space<vmem>>, vector<16xf32>,
      %add3A_548 = arith.constant 10 : i32
      %add3A_549 = arith.addi %mul3A_33, %add3A_548 : i32
      %get3A_550 = arith.index_cast %add3A_549 : i32 to index
      %get3A_551 = arith.constant 0 : index
      %get3A_552 = tpu.vector_load %arg14[%get3A_550, %get3A_551] {strides = array<i32>} : memref<512x64xf32, #tpu.memory_space<vmem>>, vector<16xf32>,
      %mul3A_553 = arith.mulf %get3A_547, %get3A_552 : vector<16xf32>
      %add3A_554 = arith.constant 10 : i32
      %add3A_555 = arith.addi %mul3A_33, %add3A_554 : i32
      %get3A_556 = arith.index_cast %add3A_555 : i32 to index
      %get3A_557 = arith.constant 16 : index
      %get3A_558 = tpu.vector_load %arg13[%get3A_556, %get3A_557] {strides = array<i32>} : memref<512x64xf32, #tpu.memory_space<vmem>>, vector<16xf32>,
      %add3A_559 = arith.constant 10 : i32
      %add3A_560 = arith.addi %mul3A_33, %add3A_559 : i32
      %get3A_561 = arith.index_cast %add3A_560 : i32 to index
      %get3A_562 = arith.constant 16 : index
      %get3A_563 = tpu.vector_load %arg14[%get3A_561, %get3A_562] {strides = array<i32>} : memref<512x64xf32, #tpu.memory_space<vmem>>, vector<16xf32>,
      %mul3A_564 = arith.mulf %get3A_558, %get3A_563 : vector<16xf32>
      %add3A_565 = arith.addf %mul3A_553, %mul3A_564 : vector<16xf32>
      %add3A_566 = arith.constant 10 : i32
      %add3A_567 = arith.addi %mul3A_33, %add3A_566 : i32
      %get3A_568 = arith.index_cast %add3A_567 : i32 to index
      %get3A_569 = arith.constant 32 : index
      %get3A_570 = tpu.vector_load %arg13[%get3A_568, %get3A_569] {strides = array<i32>} : memref<512x64xf32, #tpu.memory_space<vmem>>, vector<16xf32>,
      %add3A_571 = arith.constant 10 : i32
      %add3A_572 = arith.addi %mul3A_33, %add3A_571 : i32
      %get3A_573 = arith.index_cast %add3A_572 : i32 to index
      %get3A_574 = arith.constant 32 : index
      %get3A_575 = tpu.vector_load %arg14[%get3A_573, %get3A_574] {strides = array<i32>} : memref<512x64xf32, #tpu.memory_space<vmem>>, vector<16xf32>,
      %mul3A_576 = arith.mulf %get3A_570, %get3A_575 : vector<16xf32>
      %add3A_577 = arith.addf %add3A_565, %mul3A_576 : vector<16xf32>
      %add3A_578 = arith.constant 10 : i32
      %add3A_579 = arith.addi %mul3A_33, %add3A_578 : i32
      %get3A_580 = arith.index_cast %add3A_579 : i32 to index
      %get3A_581 = arith.constant 48 : index
      %get3A_582 = tpu.vector_load %arg13[%get3A_580, %get3A_581] {strides = array<i32>} : memref<512x64xf32, #tpu.memory_space<vmem>>, vector<16xf32>,
      %add3A_583 = arith.constant 10 : i32
      %add3A_584 = arith.addi %mul3A_33, %add3A_583 : i32
      %get3A_585 = arith.index_cast %add3A_584 : i32 to index
      %get3A_586 = arith.constant 48 : index
      %get3A_587 = tpu.vector_load %arg14[%get3A_585, %get3A_586] {strides = array<i32>} : memref<512x64xf32, #tpu.memory_space<vmem>>, vector<16xf32>,
      %mul3A_588 = arith.mulf %get3A_582, %get3A_587 : vector<16xf32>
      %add3A_589 = arith.addf %add3A_577, %mul3A_588 : vector<16xf32>
      %swap3A_590 = arith.constant 10 : i32
      %swap3A_591 = arith.index_cast %swap3A_590 : i32 to index
      %swap3A_592 = arith.constant 0 : index
      %swap3A_593 = tpu.vector_load %arg19[%swap3A_591, %swap3A_592] {strides = array<i32>} : memref<16x17xf32, #tpu.memory_space<vmem>>, vector<16xf32>,
      tpu.vector_store %arg19[%swap3A_591, %swap3A_592], %add3A_589 {strides = array<i32>} : memref<16x17xf32, #tpu.memory_space<vmem>>, vector<16xf32>,
      %add3A_594 = arith.constant 11 : i32
      %add3A_595 = arith.addi %mul3A_33, %add3A_594 : i32
      %get3A_596 = arith.index_cast %add3A_595 : i32 to index
      %get3A_597 = arith.constant 0 : index
      %get3A_598 = tpu.vector_load %arg13[%get3A_596, %get3A_597] {strides = array<i32>} : memref<512x64xf32, #tpu.memory_space<vmem>>, vector<16xf32>,
      %add3A_599 = arith.constant 11 : i32
      %add3A_600 = arith.addi %mul3A_33, %add3A_599 : i32
      %get3A_601 = arith.index_cast %add3A_600 : i32 to index
      %get3A_602 = arith.constant 0 : index
      %get3A_603 = tpu.vector_load %arg14[%get3A_601, %get3A_602] {strides = array<i32>} : memref<512x64xf32, #tpu.memory_space<vmem>>, vector<16xf32>,
      %mul3A_604 = arith.mulf %get3A_598, %get3A_603 : vector<16xf32>
      %add3A_605 = arith.constant 11 : i32
      %add3A_606 = arith.addi %mul3A_33, %add3A_605 : i32
      %get3A_607 = arith.index_cast %add3A_606 : i32 to index
      %get3A_608 = arith.constant 16 : index
      %get3A_609 = tpu.vector_load %arg13[%get3A_607, %get3A_608] {strides = array<i32>} : memref<512x64xf32, #tpu.memory_space<vmem>>, vector<16xf32>,
      %add3A_610 = arith.constant 11 : i32
      %add3A_611 = arith.addi %mul3A_33, %add3A_610 : i32
      %get3A_612 = arith.index_cast %add3A_611 : i32 to index
      %get3A_613 = arith.constant 16 : index
      %get3A_614 = tpu.vector_load %arg14[%get3A_612, %get3A_613] {strides = array<i32>} : memref<512x64xf32, #tpu.memory_space<vmem>>, vector<16xf32>,
      %mul3A_615 = arith.mulf %get3A_609, %get3A_614 : vector<16xf32>
      %add3A_616 = arith.addf %mul3A_604, %mul3A_615 : vector<16xf32>
      %add3A_617 = arith.constant 11 : i32
      %add3A_618 = arith.addi %mul3A_33, %add3A_617 : i32
      %get3A_619 = arith.index_cast %add3A_618 : i32 to index
      %get3A_620 = arith.constant 32 : index
      %get3A_621 = tpu.vector_load %arg13[%get3A_619, %get3A_620] {strides = array<i32>} : memref<512x64xf32, #tpu.memory_space<vmem>>, vector<16xf32>,
      %add3A_622 = arith.constant 11 : i32
      %add3A_623 = arith.addi %mul3A_33, %add3A_622 : i32
      %get3A_624 = arith.index_cast %add3A_623 : i32 to index
      %get3A_625 = arith.constant 32 : index
      %get3A_626 = tpu.vector_load %arg14[%get3A_624, %get3A_625] {strides = array<i32>} : memref<512x64xf32, #tpu.memory_space<vmem>>, vector<16xf32>,
      %mul3A_627 = arith.mulf %get3A_621, %get3A_626 : vector<16xf32>
      %add3A_628 = arith.addf %add3A_616, %mul3A_627 : vector<16xf32>
      %add3A_629 = arith.constant 11 : i32
      %add3A_630 = arith.addi %mul3A_33, %add3A_629 : i32
      %get3A_631 = arith.index_cast %add3A_630 : i32 to index
      %get3A_632 = arith.constant 48 : index
      %get3A_633 = tpu.vector_load %arg13[%get3A_631, %get3A_632] {strides = array<i32>} : memref<512x64xf32, #tpu.memory_space<vmem>>, vector<16xf32>,
      %add3A_634 = arith.constant 11 : i32
      %add3A_635 = arith.addi %mul3A_33, %add3A_634 : i32
      %get3A_636 = arith.index_cast %add3A_635 : i32 to index
      %get3A_637 = arith.constant 48 : index
      %get3A_638 = tpu.vector_load %arg14[%get3A_636, %get3A_637] {strides = array<i32>} : memref<512x64xf32, #tpu.memory_space<vmem>>, vector<16xf32>,
      %mul3A_639 = arith.mulf %get3A_633, %get3A_638 : vector<16xf32>
      %add3A_640 = arith.addf %add3A_628, %mul3A_639 : vector<16xf32>
      %swap3A_641 = arith.constant 11 : i32
      %swap3A_642 = arith.index_cast %swap3A_641 : i32 to index
      %swap3A_643 = arith.constant 0 : index
      %swap3A_644 = tpu.vector_load %arg19[%swap3A_642, %swap3A_643] {strides = array<i32>} : memref<16x17xf32, #tpu.memory_space<vmem>>, vector<16xf32>,
      tpu.vector_store %arg19[%swap3A_642, %swap3A_643], %add3A_640 {strides = array<i32>} : memref<16x17xf32, #tpu.memory_space<vmem>>, vector<16xf32>,
      %add3A_645 = arith.constant 12 : i32
      %add3A_646 = arith.addi %mul3A_33, %add3A_645 : i32
      %get3A_647 = arith.index_cast %add3A_646 : i32 to index
      %get3A_648 = arith.constant 0 : index
      %get3A_649 = tpu.vector_load %arg13[%get3A_647, %get3A_648] {strides = array<i32>} : memref<512x64xf32, #tpu.memory_space<vmem>>, vector<16xf32>,
      %add3A_650 = arith.constant 12 : i32
      %add3A_651 = arith.addi %mul3A_33, %add3A_650 : i32
      %get3A_652 = arith.index_cast %add3A_651 : i32 to index
      %get3A_653 = arith.constant 0 : index
      %get3A_654 = tpu.vector_load %arg14[%get3A_652, %get3A_653] {strides = array<i32>} : memref<512x64xf32, #tpu.memory_space<vmem>>, vector<16xf32>,
      %mul3A_655 = arith.mulf %get3A_649, %get3A_654 : vector<16xf32>
      %add3A_656 = arith.constant 12 : i32
      %add3A_657 = arith.addi %mul3A_33, %add3A_656 : i32
      %get3A_658 = arith.index_cast %add3A_657 : i32 to index
      %get3A_659 = arith.constant 16 : index
      %get3A_660 = tpu.vector_load %arg13[%get3A_658, %get3A_659] {strides = array<i32>} : memref<512x64xf32, #tpu.memory_space<vmem>>, vector<16xf32>,
      %add3A_661 = arith.constant 12 : i32
      %add3A_662 = arith.addi %mul3A_33, %add3A_661 : i32
      %get3A_663 = arith.index_cast %add3A_662 : i32 to index
      %get3A_664 = arith.constant 16 : index
      %get3A_665 = tpu.vector_load %arg14[%get3A_663, %get3A_664] {strides = array<i32>} : memref<512x64xf32, #tpu.memory_space<vmem>>, vector<16xf32>,
      %mul3A_666 = arith.mulf %get3A_660, %get3A_665 : vector<16xf32>
      %add3A_667 = arith.addf %mul3A_655, %mul3A_666 : vector<16xf32>
      %add3A_668 = arith.constant 12 : i32
      %add3A_669 = arith.addi %mul3A_33, %add3A_668 : i32
      %get3A_670 = arith.index_cast %add3A_669 : i32 to index
      %get3A_671 = arith.constant 32 : index
      %get3A_672 = tpu.vector_load %arg13[%get3A_670, %get3A_671] {strides = array<i32>} : memref<512x64xf32, #tpu.memory_space<vmem>>, vector<16xf32>,
      %add3A_673 = arith.constant 12 : i32
      %add3A_674 = arith.addi %mul3A_33, %add3A_673 : i32
      %get3A_675 = arith.index_cast %add3A_674 : i32 to index
      %get3A_676 = arith.constant 32 : index
      %get3A_677 = tpu.vector_load %arg14[%get3A_675, %get3A_676] {strides = array<i32>} : memref<512x64xf32, #tpu.memory_space<vmem>>, vector<16xf32>,
      %mul3A_678 = arith.mulf %get3A_672, %get3A_677 : vector<16xf32>
      %add3A_679 = arith.addf %add3A_667, %mul3A_678 : vector<16xf32>
      %add3A_680 = arith.constant 12 : i32
      %add3A_681 = arith.addi %mul3A_33, %add3A_680 : i32
      %get3A_682 = arith.index_cast %add3A_681 : i32 to index
      %get3A_683 = arith.constant 48 : index
      %get3A_684 = tpu.vector_load %arg13[%get3A_682, %get3A_683] {strides = array<i32>} : memref<512x64xf32, #tpu.memory_space<vmem>>, vector<16xf32>,
      %add3A_685 = arith.constant 12 : i32
      %add3A_686 = arith.addi %mul3A_33, %add3A_685 : i32
      %get3A_687 = arith.index_cast %add3A_686 : i32 to index
      %get3A_688 = arith.constant 48 : index
      %get3A_689 = tpu.vector_load %arg14[%get3A_687, %get3A_688] {strides = array<i32>} : memref<512x64xf32, #tpu.memory_space<vmem>>, vector<16xf32>,
      %mul3A_690 = arith.mulf %get3A_684, %get3A_689 : vector<16xf32>
      %add3A_691 = arith.addf %add3A_679, %mul3A_690 : vector<16xf32>
      %swap3A_692 = arith.constant 12 : i32
      %swap3A_693 = arith.index_cast %swap3A_692 : i32 to index
      %swap3A_694 = arith.constant 0 : index
      %swap3A_695 = tpu.vector_load %arg19[%swap3A_693, %swap3A_694] {strides = array<i32>} : memref<16x17xf32, #tpu.memory_space<vmem>>, vector<16xf32>,
      tpu.vector_store %arg19[%swap3A_693, %swap3A_694], %add3A_691 {strides = array<i32>} : memref<16x17xf32, #tpu.memory_space<vmem>>, vector<16xf32>,
      %add3A_696 = arith.constant 13 : i32
      %add3A_697 = arith.addi %mul3A_33, %add3A_696 : i32
      %get3A_698 = arith.index_cast %add3A_697 : i32 to index
      %get3A_699 = arith.constant 0 : index
      %get3A_700 = tpu.vector_load %arg13[%get3A_698, %get3A_699] {strides = array<i32>} : memref<512x64xf32, #tpu.memory_space<vmem>>, vector<16xf32>,
      %add3A_701 = arith.constant 13 : i32
      %add3A_702 = arith.addi %mul3A_33, %add3A_701 : i32
      %get3A_703 = arith.index_cast %add3A_702 : i32 to index
      %get3A_704 = arith.constant 0 : index
      %get3A_705 = tpu.vector_load %arg14[%get3A_703, %get3A_704] {strides = array<i32>} : memref<512x64xf32, #tpu.memory_space<vmem>>, vector<16xf32>,
      %mul3A_706 = arith.mulf %get3A_700, %get3A_705 : vector<16xf32>
      %add3A_707 = arith.constant 13 : i32
      %add3A_708 = arith.addi %mul3A_33, %add3A_707 : i32
      %get3A_709 = arith.index_cast %add3A_708 : i32 to index
      %get3A_710 = arith.constant 16 : index
      %get3A_711 = tpu.vector_load %arg13[%get3A_709, %get3A_710] {strides = array<i32>} : memref<512x64xf32, #tpu.memory_space<vmem>>, vector<16xf32>,
      %add3A_712 = arith.constant 13 : i32
      %add3A_713 = arith.addi %mul3A_33, %add3A_712 : i32
      %get3A_714 = arith.index_cast %add3A_713 : i32 to index
      %get3A_715 = arith.constant 16 : index
      %get3A_716 = tpu.vector_load %arg14[%get3A_714, %get3A_715] {strides = array<i32>} : memref<512x64xf32, #tpu.memory_space<vmem>>, vector<16xf32>,
      %mul3A_717 = arith.mulf %get3A_711, %get3A_716 : vector<16xf32>
      %add3A_718 = arith.addf %mul3A_706, %mul3A_717 : vector<16xf32>
      %add3A_719 = arith.constant 13 : i32
      %add3A_720 = arith.addi %mul3A_33, %add3A_719 : i32
      %get3A_721 = arith.index_cast %add3A_720 : i32 to index
      %get3A_722 = arith.constant 32 : index
      %get3A_723 = tpu.vector_load %arg13[%get3A_721, %get3A_722] {strides = array<i32>} : memref<512x64xf32, #tpu.memory_space<vmem>>, vector<16xf32>,
      %add3A_724 = arith.constant 13 : i32
      %add3A_725 = arith.addi %mul3A_33, %add3A_724 : i32
      %get3A_726 = arith.index_cast %add3A_725 : i32 to index
      %get3A_727 = arith.constant 32 : index
      %get3A_728 = tpu.vector_load %arg14[%get3A_726, %get3A_727] {strides = array<i32>} : memref<512x64xf32, #tpu.memory_space<vmem>>, vector<16xf32>,
      %mul3A_729 = arith.mulf %get3A_723, %get3A_728 : vector<16xf32>
      %add3A_730 = arith.addf %add3A_718, %mul3A_729 : vector<16xf32>
      %add3A_731 = arith.constant 13 : i32
      %add3A_732 = arith.addi %mul3A_33, %add3A_731 : i32
      %get3A_733 = arith.index_cast %add3A_732 : i32 to index
      %get3A_734 = arith.constant 48 : index
      %get3A_735 = tpu.vector_load %arg13[%get3A_733, %get3A_734] {strides = array<i32>} : memref<512x64xf32, #tpu.memory_space<vmem>>, vector<16xf32>,
      %add3A_736 = arith.constant 13 : i32
      %add3A_737 = arith.addi %mul3A_33, %add3A_736 : i32
      %get3A_738 = arith.index_cast %add3A_737 : i32 to index
      %get3A_739 = arith.constant 48 : index
      %get3A_740 = tpu.vector_load %arg14[%get3A_738, %get3A_739] {strides = array<i32>} : memref<512x64xf32, #tpu.memory_space<vmem>>, vector<16xf32>,
      %mul3A_741 = arith.mulf %get3A_735, %get3A_740 : vector<16xf32>
      %add3A_742 = arith.addf %add3A_730, %mul3A_741 : vector<16xf32>
      %swap3A_743 = arith.constant 13 : i32
      %swap3A_744 = arith.index_cast %swap3A_743 : i32 to index
      %swap3A_745 = arith.constant 0 : index
      %swap3A_746 = tpu.vector_load %arg19[%swap3A_744, %swap3A_745] {strides = array<i32>} : memref<16x17xf32, #tpu.memory_space<vmem>>, vector<16xf32>,
      tpu.vector_store %arg19[%swap3A_744, %swap3A_745], %add3A_742 {strides = array<i32>} : memref<16x17xf32, #tpu.memory_space<vmem>>, vector<16xf32>,
      %add3A_747 = arith.constant 14 : i32
      %add3A_748 = arith.addi %mul3A_33, %add3A_747 : i32
      %get3A_749 = arith.index_cast %add3A_748 : i32 to index
      %get3A_750 = arith.constant 0 : index
      %get3A_751 = tpu.vector_load %arg13[%get3A_749, %get3A_750] {strides = array<i32>} : memref<512x64xf32, #tpu.memory_space<vmem>>, vector<16xf32>,
      %add3A_752 = arith.constant 14 : i32
      %add3A_753 = arith.addi %mul3A_33, %add3A_752 : i32
      %get3A_754 = arith.index_cast %add3A_753 : i32 to index
      %get3A_755 = arith.constant 0 : index
      %get3A_756 = tpu.vector_load %arg14[%get3A_754, %get3A_755] {strides = array<i32>} : memref<512x64xf32, #tpu.memory_space<vmem>>, vector<16xf32>,
      %mul3A_757 = arith.mulf %get3A_751, %get3A_756 : vector<16xf32>
      %add3A_758 = arith.constant 14 : i32
      %add3A_759 = arith.addi %mul3A_33, %add3A_758 : i32
      %get3A_760 = arith.index_cast %add3A_759 : i32 to index
      %get3A_761 = arith.constant 16 : index
      %get3A_762 = tpu.vector_load %arg13[%get3A_760, %get3A_761] {strides = array<i32>} : memref<512x64xf32, #tpu.memory_space<vmem>>, vector<16xf32>,
      %add3A_763 = arith.constant 14 : i32
      %add3A_764 = arith.addi %mul3A_33, %add3A_763 : i32
      %get3A_765 = arith.index_cast %add3A_764 : i32 to index
      %get3A_766 = arith.constant 16 : index
      %get3A_767 = tpu.vector_load %arg14[%get3A_765, %get3A_766] {strides = array<i32>} : memref<512x64xf32, #tpu.memory_space<vmem>>, vector<16xf32>,
      %mul3A_768 = arith.mulf %get3A_762, %get3A_767 : vector<16xf32>
      %add3A_769 = arith.addf %mul3A_757, %mul3A_768 : vector<16xf32>
      %add3A_770 = arith.constant 14 : i32
      %add3A_771 = arith.addi %mul3A_33, %add3A_770 : i32
      %get3A_772 = arith.index_cast %add3A_771 : i32 to index
      %get3A_773 = arith.constant 32 : index
      %get3A_774 = tpu.vector_load %arg13[%get3A_772, %get3A_773] {strides = array<i32>} : memref<512x64xf32, #tpu.memory_space<vmem>>, vector<16xf32>,
      %add3A_775 = arith.constant 14 : i32
      %add3A_776 = arith.addi %mul3A_33, %add3A_775 : i32
      %get3A_777 = arith.index_cast %add3A_776 : i32 to index
      %get3A_778 = arith.constant 32 : index
      %get3A_779 = tpu.vector_load %arg14[%get3A_777, %get3A_778] {strides = array<i32>} : memref<512x64xf32, #tpu.memory_space<vmem>>, vector<16xf32>,
      %mul3A_780 = arith.mulf %get3A_774, %get3A_779 : vector<16xf32>
      %add3A_781 = arith.addf %add3A_769, %mul3A_780 : vector<16xf32>
      %add3A_782 = arith.constant 14 : i32
      %add3A_783 = arith.addi %mul3A_33, %add3A_782 : i32
      %get3A_784 = arith.index_cast %add3A_783 : i32 to index
      %get3A_785 = arith.constant 48 : index
      %get3A_786 = tpu.vector_load %arg13[%get3A_784, %get3A_785] {strides = array<i32>} : memref<512x64xf32, #tpu.memory_space<vmem>>, vector<16xf32>,
      %add3A_787 = arith.constant 14 : i32
      %add3A_788 = arith.addi %mul3A_33, %add3A_787 : i32
      %get3A_789 = arith.index_cast %add3A_788 : i32 to index
      %get3A_790 = arith.constant 48 : index
      %get3A_791 = tpu.vector_load %arg14[%get3A_789, %get3A_790] {strides = array<i32>} : memref<512x64xf32, #tpu.memory_space<vmem>>, vector<16xf32>,
      %mul3A_792 = arith.mulf %get3A_786, %get3A_791 : vector<16xf32>
      %add3A_793 = arith.addf %add3A_781, %mul3A_792 : vector<16xf32>
      %swap3A_794 = arith.constant 14 : i32
      %swap3A_795 = arith.index_cast %swap3A_794 : i32 to index
      %swap3A_796 = arith.constant 0 : index
      %swap3A_797 = tpu.vector_load %arg19[%swap3A_795, %swap3A_796] {strides = array<i32>} : memref<16x17xf32, #tpu.memory_space<vmem>>, vector<16xf32>,
      tpu.vector_store %arg19[%swap3A_795, %swap3A_796], %add3A_793 {strides = array<i32>} : memref<16x17xf32, #tpu.memory_space<vmem>>, vector<16xf32>,
      %add3A_798 = arith.constant 15 : i32
      %add3A_799 = arith.addi %mul3A_33, %add3A_798 : i32
      %get3A_800 = arith.index_cast %add3A_799 : i32 to index
      %get3A_801 = arith.constant 0 : index
      %get3A_802 = tpu.vector_load %arg13[%get3A_800, %get3A_801] {strides = array<i32>} : memref<512x64xf32, #tpu.memory_space<vmem>>, vector<16xf32>,
      %add3A_803 = arith.constant 15 : i32
      %add3A_804 = arith.addi %mul3A_33, %add3A_803 : i32
      %get3A_805 = arith.index_cast %add3A_804 : i32 to index
      %get3A_806 = arith.constant 0 : index
      %get3A_807 = tpu.vector_load %arg14[%get3A_805, %get3A_806] {strides = array<i32>} : memref<512x64xf32, #tpu.memory_space<vmem>>, vector<16xf32>,
      %mul3A_808 = arith.mulf %get3A_802, %get3A_807 : vector<16xf32>
      %add3A_809 = arith.constant 15 : i32
      %add3A_810 = arith.addi %mul3A_33, %add3A_809 : i32
      %get3A_811 = arith.index_cast %add3A_810 : i32 to index
      %get3A_812 = arith.constant 16 : index
      %get3A_813 = tpu.vector_load %arg13[%get3A_811, %get3A_812] {strides = array<i32>} : memref<512x64xf32, #tpu.memory_space<vmem>>, vector<16xf32>,
      %add3A_814 = arith.constant 15 : i32
      %add3A_815 = arith.addi %mul3A_33, %add3A_814 : i32
      %get3A_816 = arith.index_cast %add3A_815 : i32 to index
      %get3A_817 = arith.constant 16 : index
      %get3A_818 = tpu.vector_load %arg14[%get3A_816, %get3A_817] {strides = array<i32>} : memref<512x64xf32, #tpu.memory_space<vmem>>, vector<16xf32>,
      %mul3A_819 = arith.mulf %get3A_813, %get3A_818 : vector<16xf32>
      %add3A_820 = arith.addf %mul3A_808, %mul3A_819 : vector<16xf32>
      %add3A_821 = arith.constant 15 : i32
      %add3A_822 = arith.addi %mul3A_33, %add3A_821 : i32
      %get3A_823 = arith.index_cast %add3A_822 : i32 to index
      %get3A_824 = arith.constant 32 : index
      %get3A_825 = tpu.vector_load %arg13[%get3A_823, %get3A_824] {strides = array<i32>} : memref<512x64xf32, #tpu.memory_space<vmem>>, vector<16xf32>,
      %add3A_826 = arith.constant 15 : i32
      %add3A_827 = arith.addi %mul3A_33, %add3A_826 : i32
      %get3A_828 = arith.index_cast %add3A_827 : i32 to index
      %get3A_829 = arith.constant 32 : index
      %get3A_830 = tpu.vector_load %arg14[%get3A_828, %get3A_829] {strides = array<i32>} : memref<512x64xf32, #tpu.memory_space<vmem>>, vector<16xf32>,
      %mul3A_831 = arith.mulf %get3A_825, %get3A_830 : vector<16xf32>
      %add3A_832 = arith.addf %add3A_820, %mul3A_831 : vector<16xf32>
      %add3A_833 = arith.constant 15 : i32
      %add3A_834 = arith.addi %mul3A_33, %add3A_833 : i32
      %get3A_835 = arith.index_cast %add3A_834 : i32 to index
      %get3A_836 = arith.constant 48 : index
      %get3A_837 = tpu.vector_load %arg13[%get3A_835, %get3A_836] {strides = array<i32>} : memref<512x64xf32, #tpu.memory_space<vmem>>, vector<16xf32>,
      %add3A_838 = arith.constant 15 : i32
      %add3A_839 = arith.addi %mul3A_33, %add3A_838 : i32
      %get3A_840 = arith.index_cast %add3A_839 : i32 to index
      %get3A_841 = arith.constant 48 : index
      %get3A_842 = tpu.vector_load %arg14[%get3A_840, %get3A_841] {strides = array<i32>} : memref<512x64xf32, #tpu.memory_space<vmem>>, vector<16xf32>,
      %mul3A_843 = arith.mulf %get3A_837, %get3A_842 : vector<16xf32>
      %add3A_844 = arith.addf %add3A_832, %mul3A_843 : vector<16xf32>
      %swap3A_845 = arith.constant 15 : i32
      %swap3A_846 = arith.index_cast %swap3A_845 : i32 to index
      %swap3A_847 = arith.constant 0 : index
      %swap3A_848 = tpu.vector_load %arg19[%swap3A_846, %swap3A_847] {strides = array<i32>} : memref<16x17xf32, #tpu.memory_space<vmem>>, vector<16xf32>,
      tpu.vector_store %arg19[%swap3A_846, %swap3A_847], %add3A_844 {strides = array<i32>} : memref<16x17xf32, #tpu.memory_space<vmem>>, vector<16xf32>,
      %broadcast_in_dim3A_849 = arith.constant 0 : i32
      %broadcast_in_dim3A_850 = vector.broadcast %broadcast_in_dim3A_849 : i32 to vector<16xi32>
      %gather3A = tpu.vector_load_idx %arg19[%iota3A, %broadcast_in_dim3A_850] : memref<16x17xf32, #tpu.memory_space<vmem>>[vector<16xi32>, vector<16xi32>], vector<16xf32>,
      %broadcast_in_dim3A_851 = arith.constant 1 : i32
      %broadcast_in_dim3A_852 = vector.broadcast %broadcast_in_dim3A_851 : i32 to vector<16xi32>
      %gather3A_853 = tpu.vector_load_idx %arg19[%iota3A, %broadcast_in_dim3A_852] : memref<16x17xf32, #tpu.memory_space<vmem>>[vector<16xi32>, vector<16xi32>], vector<16xf32>,
      %add3A_854 = arith.addf %gather3A, %gather3A_853 : vector<16xf32>
      %broadcast_in_dim3A_855 = arith.constant 2 : i32
      %broadcast_in_dim3A_856 = vector.broadcast %broadcast_in_dim3A_855 : i32 to vector<16xi32>
      %gather3A_857 = tpu.vector_load_idx %arg19[%iota3A, %broadcast_in_dim3A_856] : memref<16x17xf32, #tpu.memory_space<vmem>>[vector<16xi32>, vector<16xi32>], vector<16xf32>,
      %add3A_858 = arith.addf %add3A_854, %gather3A_857 : vector<16xf32>
      %broadcast_in_dim3A_859 = arith.constant 3 : i32
      %broadcast_in_dim3A_860 = vector.broadcast %broadcast_in_dim3A_859 : i32 to vector<16xi32>
      %gather3A_861 = tpu.vector_load_idx %arg19[%iota3A, %broadcast_in_dim3A_860] : memref<16x17xf32, #tpu.memory_space<vmem>>[vector<16xi32>, vector<16xi32>], vector<16xf32>,
      %add3A_862 = arith.addf %add3A_858, %gather3A_861 : vector<16xf32>
      %broadcast_in_dim3A_863 = arith.constant 4 : i32
      %broadcast_in_dim3A_864 = vector.broadcast %broadcast_in_dim3A_863 : i32 to vector<16xi32>
      %gather3A_865 = tpu.vector_load_idx %arg19[%iota3A, %broadcast_in_dim3A_864] : memref<16x17xf32, #tpu.memory_space<vmem>>[vector<16xi32>, vector<16xi32>], vector<16xf32>,
      %add3A_866 = arith.addf %add3A_862, %gather3A_865 : vector<16xf32>
      %broadcast_in_dim3A_867 = arith.constant 5 : i32
      %broadcast_in_dim3A_868 = vector.broadcast %broadcast_in_dim3A_867 : i32 to vector<16xi32>
      %gather3A_869 = tpu.vector_load_idx %arg19[%iota3A, %broadcast_in_dim3A_868] : memref<16x17xf32, #tpu.memory_space<vmem>>[vector<16xi32>, vector<16xi32>], vector<16xf32>,
      %add3A_870 = arith.addf %add3A_866, %gather3A_869 : vector<16xf32>
      %broadcast_in_dim3A_871 = arith.constant 6 : i32
      %broadcast_in_dim3A_872 = vector.broadcast %broadcast_in_dim3A_871 : i32 to vector<16xi32>
      %gather3A_873 = tpu.vector_load_idx %arg19[%iota3A, %broadcast_in_dim3A_872] : memref<16x17xf32, #tpu.memory_space<vmem>>[vector<16xi32>, vector<16xi32>], vector<16xf32>,
      %add3A_874 = arith.addf %add3A_870, %gather3A_873 : vector<16xf32>
      %broadcast_in_dim3A_875 = arith.constant 7 : i32
      %broadcast_in_dim3A_876 = vector.broadcast %broadcast_in_dim3A_875 : i32 to vector<16xi32>
      %gather3A_877 = tpu.vector_load_idx %arg19[%iota3A, %broadcast_in_dim3A_876] : memref<16x17xf32, #tpu.memory_space<vmem>>[vector<16xi32>, vector<16xi32>], vector<16xf32>,
      %add3A_878 = arith.addf %add3A_874, %gather3A_877 : vector<16xf32>
      %broadcast_in_dim3A_879 = arith.constant 8 : i32
      %broadcast_in_dim3A_880 = vector.broadcast %broadcast_in_dim3A_879 : i32 to vector<16xi32>
      %gather3A_881 = tpu.vector_load_idx %arg19[%iota3A, %broadcast_in_dim3A_880] : memref<16x17xf32, #tpu.memory_space<vmem>>[vector<16xi32>, vector<16xi32>], vector<16xf32>,
      %add3A_882 = arith.addf %add3A_878, %gather3A_881 : vector<16xf32>
      %broadcast_in_dim3A_883 = arith.constant 9 : i32
      %broadcast_in_dim3A_884 = vector.broadcast %broadcast_in_dim3A_883 : i32 to vector<16xi32>
      %gather3A_885 = tpu.vector_load_idx %arg19[%iota3A, %broadcast_in_dim3A_884] : memref<16x17xf32, #tpu.memory_space<vmem>>[vector<16xi32>, vector<16xi32>], vector<16xf32>,
      %add3A_886 = arith.addf %add3A_882, %gather3A_885 : vector<16xf32>
      %broadcast_in_dim3A_887 = arith.constant 10 : i32
      %broadcast_in_dim3A_888 = vector.broadcast %broadcast_in_dim3A_887 : i32 to vector<16xi32>
      %gather3A_889 = tpu.vector_load_idx %arg19[%iota3A, %broadcast_in_dim3A_888] : memref<16x17xf32, #tpu.memory_space<vmem>>[vector<16xi32>, vector<16xi32>], vector<16xf32>,
      %add3A_890 = arith.addf %add3A_886, %gather3A_889 : vector<16xf32>
      %broadcast_in_dim3A_891 = arith.constant 11 : i32
      %broadcast_in_dim3A_892 = vector.broadcast %broadcast_in_dim3A_891 : i32 to vector<16xi32>
      %gather3A_893 = tpu.vector_load_idx %arg19[%iota3A, %broadcast_in_dim3A_892] : memref<16x17xf32, #tpu.memory_space<vmem>>[vector<16xi32>, vector<16xi32>], vector<16xf32>,
      %add3A_894 = arith.addf %add3A_890, %gather3A_893 : vector<16xf32>
      %broadcast_in_dim3A_895 = arith.constant 12 : i32
      %broadcast_in_dim3A_896 = vector.broadcast %broadcast_in_dim3A_895 : i32 to vector<16xi32>
      %gather3A_897 = tpu.vector_load_idx %arg19[%iota3A, %broadcast_in_dim3A_896] : memref<16x17xf32, #tpu.memory_space<vmem>>[vector<16xi32>, vector<16xi32>], vector<16xf32>,
      %add3A_898 = arith.addf %add3A_894, %gather3A_897 : vector<16xf32>
      %broadcast_in_dim3A_899 = arith.constant 13 : i32
      %broadcast_in_dim3A_900 = vector.broadcast %broadcast_in_dim3A_899 : i32 to vector<16xi32>
      %gather3A_901 = tpu.vector_load_idx %arg19[%iota3A, %broadcast_in_dim3A_900] : memref<16x17xf32, #tpu.memory_space<vmem>>[vector<16xi32>, vector<16xi32>], vector<16xf32>,
      %add3A_902 = arith.addf %add3A_898, %gather3A_901 : vector<16xf32>
      %broadcast_in_dim3A_903 = arith.constant 14 : i32
      %broadcast_in_dim3A_904 = vector.broadcast %broadcast_in_dim3A_903 : i32 to vector<16xi32>
      %gather3A_905 = tpu.vector_load_idx %arg19[%iota3A, %broadcast_in_dim3A_904] : memref<16x17xf32, #tpu.memory_space<vmem>>[vector<16xi32>, vector<16xi32>], vector<16xf32>,
      %add3A_906 = arith.addf %add3A_902, %gather3A_905 : vector<16xf32>
      %broadcast_in_dim3A_907 = arith.constant 15 : i32
      %broadcast_in_dim3A_908 = vector.broadcast %broadcast_in_dim3A_907 : i32 to vector<16xi32>
      %gather3A_909 = tpu.vector_load_idx %arg19[%iota3A, %broadcast_in_dim3A_908] : memref<16x17xf32, #tpu.memory_space<vmem>>[vector<16xi32>, vector<16xi32>], vector<16xf32>,
      %add3A_910 = arith.addf %add3A_906, %gather3A_909 : vector<16xf32>
      %get3A_911 = arith.index_cast %mul3A_33 : i32 to index
      %get3A_912 = tpu.vector_load %arg15[%get3A_911] {strides = array<i32>} : memref<512xf32, #tpu.memory_space<vmem>>, vector<16xf32>,
      %add3A_913 = arith.addf %add3A_910, %get3A_912 : vector<16xf32>
      %get3A_914 = arith.index_cast %mul3A_33 : i32 to index
      %get3A_915 = tpu.vector_load %arg16[%get3A_914] {strides = array<i32>} : memref<512xf32, #tpu.memory_space<vmem>>, vector<16xf32>,
      %add3A_916 = arith.addf %add3A_913, %get3A_915 : vector<16xf32>
      %get3A_917 = arith.index_cast %mul3A_33 : i32 to index
      %get3A_918 = tpu.vector_load %arg17[%get3A_917] {strides = array<i32>} : memref<512xf32, #tpu.memory_space<vmem>>, vector<16xf32>,
      %sub3A = arith.subf %add3A_916, %get3A_918 : vector<16xf32>
      %get3A_919 = arith.index_cast %mul3A_33 : i32 to index
      %get3A_920 = tpu.vector_load %arg18[%get3A_919] {strides = array<i32>} : memref<512xf32, #tpu.memory_space<vmem>>, vector<16xf32>,
      %mul3A_921 = arith.mulf %get3A_920, %sub3A : vector<16xf32>
      %mul3A_922 = arith.mulf %mul3A_921, %sub3A : vector<16xf32>
      %add3A_923 = arith.addf %scan3A_31, %mul3A_922 : vector<16xf32>
      scf.yield %add3A_923 : vector<16xf32>
    }
    %scan3A_26 = arith.constant 32 : i32
    %swap3A = arith.constant 0 : index
    %swap3A_27 = tpu.vector_load %arg20[%swap3A] {strides = array<i32>} : memref<16xf32, #tpu.memory_space<vmem>>, vector<16xf32>,
    tpu.vector_store %arg20[%swap3A], %scan3A_25 {strides = array<i32>} : memref<16xf32, #tpu.memory_space<vmem>>, vector<16xf32>,
    "tpu.region"() ({
      %run_scoped3A = tpu.sem_alloc : memref<!tpu.dma_semaphore, #tpu.memory_space<semaphore_mem>>
      %dma_start3A_30 = arith.constant 0 : i32
      %dma_start3A_31 = tpu.memref_slice %arg23[%arg1, %dma_start3A_30] : memref<16x16xf32, #tpu.memory_space<vmem_shared>> -> memref<1x16xf32, #tpu.memory_space<vmem_shared>>
      %dma_start3A_32 = tpu.memref_squeeze %dma_start3A_31 : memref<1x16xf32, #tpu.memory_space<vmem_shared>> -> memref<16xf32, #tpu.memory_space<vmem_shared>>
      %dma_start3A_33 = arith.constant 0 : i32
      %dma_start3A_34 = tpu.memref_slice %arg23[%arg1, %dma_start3A_33] : memref<16x16xf32, #tpu.memory_space<vmem_shared>> -> memref<1x16xf32, #tpu.memory_space<vmem_shared>>
      %dma_start3A_35 = tpu.memref_squeeze %dma_start3A_34 : memref<1x16xf32, #tpu.memory_space<vmem_shared>> -> memref<16xf32, #tpu.memory_space<vmem_shared>>
      tpu.enqueue_dma source(%arg20 : memref<16xf32, #tpu.memory_space<vmem>>) target(%dma_start3A_35 : memref<16xf32, #tpu.memory_space<vmem_shared>>) target_semaphore(%run_scoped3A : memref<!tpu.dma_semaphore, #tpu.memory_space<semaphore_mem>>)
      %dma_wait3A_36 = arith.constant 0 : i32
      %dma_wait3A_37 = tpu.memref_slice %arg23[%arg1, %dma_wait3A_36] : memref<16x16xf32, #tpu.memory_space<vmem_shared>> -> memref<1x16xf32, #tpu.memory_space<vmem_shared>>
      %dma_wait3A_38 = tpu.memref_squeeze %dma_wait3A_37 : memref<1x16xf32, #tpu.memory_space<vmem_shared>> -> memref<16xf32, #tpu.memory_space<vmem_shared>>
      %dma_wait3A_39 = arith.constant 0 : i32
      %dma_wait3A_40 = tpu.memref_slice %arg23[%arg1, %dma_wait3A_39] : memref<16x16xf32, #tpu.memory_space<vmem_shared>> -> memref<1x16xf32, #tpu.memory_space<vmem_shared>>
      %dma_wait3A_41 = tpu.memref_squeeze %dma_wait3A_40 : memref<1x16xf32, #tpu.memory_space<vmem_shared>> -> memref<16xf32, #tpu.memory_space<vmem_shared>>
      tpu.wait_dma2 semaphore(%run_scoped3A : memref<!tpu.dma_semaphore, #tpu.memory_space<semaphore_mem>>) src(%arg20 : memref<16xf32, #tpu.memory_space<vmem>>) dst(%dma_wait3A_41 : memref<16xf32, #tpu.memory_space<vmem_shared>>)
      tpu.yield
    }) : () -> ()
    %barrier3A = arith.constant 0 : index
    tpu.barrier barrier_id(%barrier3A)
    %eq3A = arith.constant 0 : i32
    %eq3A_28 = arith.cmpi eq, %arg1, %eq3A : i32
    %convert_element_type3A = arith.extui %eq3A_28 : i1 to i32
    %cond3A = arith.constant 0 : i32
    %cond3A_29 = arith.cmpi ne, %convert_element_type3A, %cond3A : i32
    scf.if %cond3A_29 {
      "tpu.region"() ({
        %run_scoped3A = tpu.sem_alloc : memref<!tpu.dma_semaphore, #tpu.memory_space<semaphore_mem>>
        tpu.enqueue_dma source(%arg23 : memref<16x16xf32, #tpu.memory_space<vmem_shared>>) target(%arg21 : memref<16x16xf32, #tpu.memory_space<vmem>>) target_semaphore(%run_scoped3A : memref<!tpu.dma_semaphore, #tpu.memory_space<semaphore_mem>>)
        tpu.wait_dma2 semaphore(%run_scoped3A : memref<!tpu.dma_semaphore, #tpu.memory_space<semaphore_mem>>) src(%arg23 : memref<16x16xf32, #tpu.memory_space<vmem_shared>>) dst(%arg21 : memref<16x16xf32, #tpu.memory_space<vmem>>)
        tpu.yield
      }) : () -> ()
      %get3A = arith.constant 0 : i32
      %get3A_30 = arith.index_cast %get3A : i32 to index
      %get3A_31 = arith.constant 0 : index
      %get3A_32 = tpu.vector_load %arg21[%get3A_30, %get3A_31] {strides = array<i32>} : memref<16x16xf32, #tpu.memory_space<vmem>>, vector<16xf32>,
      %get3A_33 = arith.constant 1 : i32
      %get3A_34 = arith.index_cast %get3A_33 : i32 to index
      %get3A_35 = arith.constant 0 : index
      %get3A_36 = tpu.vector_load %arg21[%get3A_34, %get3A_35] {strides = array<i32>} : memref<16x16xf32, #tpu.memory_space<vmem>>, vector<16xf32>,
      %add3A_37 = arith.addf %get3A_32, %get3A_36 : vector<16xf32>
      %get3A_38 = arith.constant 2 : i32
      %get3A_39 = arith.index_cast %get3A_38 : i32 to index
      %get3A_40 = arith.constant 0 : index
      %get3A_41 = tpu.vector_load %arg21[%get3A_39, %get3A_40] {strides = array<i32>} : memref<16x16xf32, #tpu.memory_space<vmem>>, vector<16xf32>,
      %add3A_42 = arith.addf %add3A_37, %get3A_41 : vector<16xf32>
      %get3A_43 = arith.constant 3 : i32
      %get3A_44 = arith.index_cast %get3A_43 : i32 to index
      %get3A_45 = arith.constant 0 : index
      %get3A_46 = tpu.vector_load %arg21[%get3A_44, %get3A_45] {strides = array<i32>} : memref<16x16xf32, #tpu.memory_space<vmem>>, vector<16xf32>,
      %add3A_47 = arith.addf %add3A_42, %get3A_46 : vector<16xf32>
      %get3A_48 = arith.constant 4 : i32
      %get3A_49 = arith.index_cast %get3A_48 : i32 to index
      %get3A_50 = arith.constant 0 : index
      %get3A_51 = tpu.vector_load %arg21[%get3A_49, %get3A_50] {strides = array<i32>} : memref<16x16xf32, #tpu.memory_space<vmem>>, vector<16xf32>,
      %add3A_52 = arith.addf %add3A_47, %get3A_51 : vector<16xf32>
      %get3A_53 = arith.constant 5 : i32
      %get3A_54 = arith.index_cast %get3A_53 : i32 to index
      %get3A_55 = arith.constant 0 : index
      %get3A_56 = tpu.vector_load %arg21[%get3A_54, %get3A_55] {strides = array<i32>} : memref<16x16xf32, #tpu.memory_space<vmem>>, vector<16xf32>,
      %add3A_57 = arith.addf %add3A_52, %get3A_56 : vector<16xf32>
      %get3A_58 = arith.constant 6 : i32
      %get3A_59 = arith.index_cast %get3A_58 : i32 to index
      %get3A_60 = arith.constant 0 : index
      %get3A_61 = tpu.vector_load %arg21[%get3A_59, %get3A_60] {strides = array<i32>} : memref<16x16xf32, #tpu.memory_space<vmem>>, vector<16xf32>,
      %add3A_62 = arith.addf %add3A_57, %get3A_61 : vector<16xf32>
      %get3A_63 = arith.constant 7 : i32
      %get3A_64 = arith.index_cast %get3A_63 : i32 to index
      %get3A_65 = arith.constant 0 : index
      %get3A_66 = tpu.vector_load %arg21[%get3A_64, %get3A_65] {strides = array<i32>} : memref<16x16xf32, #tpu.memory_space<vmem>>, vector<16xf32>,
      %add3A_67 = arith.addf %add3A_62, %get3A_66 : vector<16xf32>
      %get3A_68 = arith.constant 8 : i32
      %get3A_69 = arith.index_cast %get3A_68 : i32 to index
      %get3A_70 = arith.constant 0 : index
      %get3A_71 = tpu.vector_load %arg21[%get3A_69, %get3A_70] {strides = array<i32>} : memref<16x16xf32, #tpu.memory_space<vmem>>, vector<16xf32>,
      %add3A_72 = arith.addf %add3A_67, %get3A_71 : vector<16xf32>
      %get3A_73 = arith.constant 9 : i32
      %get3A_74 = arith.index_cast %get3A_73 : i32 to index
      %get3A_75 = arith.constant 0 : index
      %get3A_76 = tpu.vector_load %arg21[%get3A_74, %get3A_75] {strides = array<i32>} : memref<16x16xf32, #tpu.memory_space<vmem>>, vector<16xf32>,
      %add3A_77 = arith.addf %add3A_72, %get3A_76 : vector<16xf32>
      %get3A_78 = arith.constant 10 : i32
      %get3A_79 = arith.index_cast %get3A_78 : i32 to index
      %get3A_80 = arith.constant 0 : index
      %get3A_81 = tpu.vector_load %arg21[%get3A_79, %get3A_80] {strides = array<i32>} : memref<16x16xf32, #tpu.memory_space<vmem>>, vector<16xf32>,
      %add3A_82 = arith.addf %add3A_77, %get3A_81 : vector<16xf32>
      %get3A_83 = arith.constant 11 : i32
      %get3A_84 = arith.index_cast %get3A_83 : i32 to index
      %get3A_85 = arith.constant 0 : index
      %get3A_86 = tpu.vector_load %arg21[%get3A_84, %get3A_85] {strides = array<i32>} : memref<16x16xf32, #tpu.memory_space<vmem>>, vector<16xf32>,
      %add3A_87 = arith.addf %add3A_82, %get3A_86 : vector<16xf32>
      %get3A_88 = arith.constant 12 : i32
      %get3A_89 = arith.index_cast %get3A_88 : i32 to index
      %get3A_90 = arith.constant 0 : index
      %get3A_91 = tpu.vector_load %arg21[%get3A_89, %get3A_90] {strides = array<i32>} : memref<16x16xf32, #tpu.memory_space<vmem>>, vector<16xf32>,
      %add3A_92 = arith.addf %add3A_87, %get3A_91 : vector<16xf32>
      %get3A_93 = arith.constant 13 : i32
      %get3A_94 = arith.index_cast %get3A_93 : i32 to index
      %get3A_95 = arith.constant 0 : index
      %get3A_96 = tpu.vector_load %arg21[%get3A_94, %get3A_95] {strides = array<i32>} : memref<16x16xf32, #tpu.memory_space<vmem>>, vector<16xf32>,
      %add3A_97 = arith.addf %add3A_92, %get3A_96 : vector<16xf32>
      %get3A_98 = arith.constant 14 : i32
      %get3A_99 = arith.index_cast %get3A_98 : i32 to index
      %get3A_100 = arith.constant 0 : index
      %get3A_101 = tpu.vector_load %arg21[%get3A_99, %get3A_100] {strides = array<i32>} : memref<16x16xf32, #tpu.memory_space<vmem>>, vector<16xf32>,
      %add3A_102 = arith.addf %add3A_97, %get3A_101 : vector<16xf32>
      %get3A_103 = arith.constant 15 : i32
      %get3A_104 = arith.index_cast %get3A_103 : i32 to index
      %get3A_105 = arith.constant 0 : index
      %get3A_106 = tpu.vector_load %arg21[%get3A_104, %get3A_105] {strides = array<i32>} : memref<16x16xf32, #tpu.memory_space<vmem>>, vector<16xf32>,
      %add3A_107 = arith.addf %add3A_102, %get3A_106 : vector<16xf32>
      %reduce_sum3A = arith.constant true
      %reduce_sum3A_108 = vector.broadcast %reduce_sum3A : i1 to vector<16xi1>
      %reduce_sum3A_109 = tpu.scan <sum>, %add3A_107 masked %reduce_sum3A_108 : vector<16xf32>, vector<16xi1> -> vector<16xf32>
      %reduce_sum3A_110 = vector.extract %reduce_sum3A_109[15] : f32 from vector<16xf32>
      %broadcast_in_dim3A_111 = vector.broadcast %reduce_sum3A_110 : f32 to vector<16xf32>
      %swap3A_112 = arith.constant 0 : index
      %swap3A_113 = tpu.vector_load %arg22[%swap3A_112] {strides = array<i32>} : memref<16xf32, #tpu.memory_space<vmem>>, vector<16xf32>,
      tpu.vector_store %arg22[%swap3A_112], %broadcast_in_dim3A_111 {strides = array<i32>} : memref<16xf32, #tpu.memory_space<vmem>>, vector<16xf32>,
      "tpu.region"() ({
        %run_scoped3A = tpu.sem_alloc : memref<!tpu.dma_semaphore, #tpu.memory_space<semaphore_mem>>
        %dma_start3A_114 = arith.constant 0 : i32
        %dma_start3A_115 = tpu.memref_slice %arg10[%arg0, %dma_start3A_114] : memref<2x16xf32, #tpu.memory_space<hbm>> -> memref<1x16xf32, #tpu.memory_space<hbm>>
        %dma_start3A_116 = tpu.memref_squeeze %dma_start3A_115 : memref<1x16xf32, #tpu.memory_space<hbm>> -> memref<16xf32, #tpu.memory_space<hbm>>
        %dma_start3A_117 = arith.constant 0 : i32
        %dma_start3A_118 = tpu.memref_slice %arg10[%arg0, %dma_start3A_117] : memref<2x16xf32, #tpu.memory_space<hbm>> -> memref<1x16xf32, #tpu.memory_space<hbm>>
        %dma_start3A_119 = tpu.memref_squeeze %dma_start3A_118 : memref<1x16xf32, #tpu.memory_space<hbm>> -> memref<16xf32, #tpu.memory_space<hbm>>
        tpu.enqueue_dma source(%arg22 : memref<16xf32, #tpu.memory_space<vmem>>) target(%dma_start3A_119 : memref<16xf32, #tpu.memory_space<hbm>>) target_semaphore(%run_scoped3A : memref<!tpu.dma_semaphore, #tpu.memory_space<semaphore_mem>>)
        %dma_wait3A_120 = arith.constant 0 : i32
        %dma_wait3A_121 = tpu.memref_slice %arg10[%arg0, %dma_wait3A_120] : memref<2x16xf32, #tpu.memory_space<hbm>> -> memref<1x16xf32, #tpu.memory_space<hbm>>
        %dma_wait3A_122 = tpu.memref_squeeze %dma_wait3A_121 : memref<1x16xf32, #tpu.memory_space<hbm>> -> memref<16xf32, #tpu.memory_space<hbm>>
        %dma_wait3A_123 = arith.constant 0 : i32
        %dma_wait3A_124 = tpu.memref_slice %arg10[%arg0, %dma_wait3A_123] : memref<2x16xf32, #tpu.memory_space<hbm>> -> memref<1x16xf32, #tpu.memory_space<hbm>>
        %dma_wait3A_125 = tpu.memref_squeeze %dma_wait3A_124 : memref<1x16xf32, #tpu.memory_space<hbm>> -> memref<16xf32, #tpu.memory_space<hbm>>
        tpu.wait_dma2 semaphore(%run_scoped3A : memref<!tpu.dma_semaphore, #tpu.memory_space<semaphore_mem>>) src(%arg22 : memref<16xf32, #tpu.memory_space<vmem>>) dst(%dma_wait3A_125 : memref<16xf32, #tpu.memory_space<hbm>>)
        tpu.yield
      }) : () -> ()
    } else {
    }
    return
  }
}

</mosaic_0001>

<sc_bundles>
// kernel: _glove.3.cloned.1.call-start
scs
__scs_entry_jumppad:
0x0: {  	(pc) =	sbr.rel $0x88, $3  }
0x1: {  	(tag) =	ssettag $0x0;
	lr =	simm.s32 $0x1  }
0x2: {  	[smem:$0x3F99] =	sst lr;
	_ =	strace $0xD0000000  }
0x3: {  	_ = 	snop  }
0x4: {  	_ = 	snop  }
0x5: {  	_ = 	snop  }
0x6: {  	_ = 	snop  }
0x7: {  	_ = 	snop  }
__scs_overlays_trampoline_lowered:
0x8: {  	[smem:$0x3FA8] =	sst s0  }
0x9: {  	[smem:$0x3FA9] =	sst s1  }
0xa: {  	[smem:$0x3FAA] =	sst s2  }
0xb: {  	[smem:$0x3FAB] =	sst s3  }
0xc: {  	[smem:$0x3FAC] =	sst s4  }
0xd: {  	[smem:$0x3FAD] =	sst s5  }
0xe: {  	[smem:$0x3FAE] =	sst s6  }
0xf: {  	[smem:$0x3FAF] =	sst s7  }
0x10: {  	[smem:$0x3FB0] =	sst s8  }
0x11: {  	[smem:$0x3FB1] =	sst s9;
	s0 =	simm.s32 @!p0 $0x0  }
0x12: {  	s1 =	sld [smem:$0x3F97];
	s0 =	simm.s32 @p0 $0x1  }
0x13: {  	[smem:$0x3FB2] =	sst s0;
	s0 =	simm.s32 @!p1 $0x0  }
0x14: {  	s2 =	sld [smem:$0x3F96];
	s0 =	simm.s32 @p1 $0x1  }
0x15: {  	[smem:$0x3FB3] =	sst s0;
	s0 =	simm.s32 @!p2 $0x0  }
0x16: {  	s3 =	sld [smem:$0x3FDB];
	s0 =	simm.s32 @p2 $0x1  }
0x17: {  	s4 =	simm.s32 $0x1BF5;
	[smem:$0x3FB5] =	sst s0  }
0x18: {  	s0 =	sld [smem:$0x3F98];
	_ =	swait.ge [sflag:s4], $0x0  }
0x19: {  	s7 =	sld [smem:$0x3F99]  }
0x1a: {  	s8 =	sadd.s32 $0xFFFFE003, lr  }
0x1b: {  	s9 =	sadd.s32 $0xFFFFFEF7, lr;
	s5 =	simm.s32 $0xFFFFFFFF;
	p2 =	slt.u32 s8, $0xFFFFF086  }
0x1c: {  	p1 =	slt.u32 s9, $0xF7A;
	s5 =	simm.s32 @!p2 $0x0  }
0x1d: {  	s5 =	simm.s32 @p1 $0x1;
	p0 =	seq.s32 s7, s2  }
0x1e: {  	s7 =	smul.u32 @!p0 $0xF7A, s2;
	p2 =	seq.s32 @!p0 s5, $0x0  }
0x1f: {  	s9 =	smul.u32 $0xF7A, s1;
	s8 =	simm.s32 @!p0 $0x1BF5;
	p2 =	por !p2, p0  }
0x20: {  	[sflag:s8] =	ssyncset.s32 @!p0 $0xFFFFF086;
	s6 =	sadd.s32 @!p0 s3, s7;
	s7 =	simm.s32 @!p0 $0x108  }
0x21: {  	s3 =	sadd.s32 s3, s9;
	s6 =	sadd.s32 @!p0 $0x88, s6;
	s7 =	simm.s32 @p2 $0x1082  }
0x22: {  	[simem:s7], [sflag:s8] =	dma.local @!p0 [hbm:s6], $0xF7A  }
0x23: {  	s9 =	sor.u32 $0xD0000000, s2;
	s6 =	simm.s32 $0x108;
	_ =	swait.ge @!p0 [sflag:s8], $0x0  }
0x24: {  	s3 =	sadd.s32 $0x88, s3;
	s6 =	simm.s32 @!p1 $0x1082;
	[sflag:s4] =	ssyncset.s32 $0xFFFFF086  }
0x25: {  	[simem:s6], [sflag:s4] =	dma.local [hbm:s3], $0xF7A  }
0x26: {  	[smem:$0x3F99] =	sst s1;
	(tag) =	ssettag s2;
	_ =	strace s9  }
0x27: {  	s1 =	sld [smem:$0x3FA9]  }
0x28: {  	s2 =	sld [smem:$0x3FAA]  }
0x29: {  	s4 =	sld [smem:$0x3FAC]  }
0x2a: {  	p0 =	seq.s32 s5, $0x0;
	s5 =	sld [smem:$0x3FAD]  }
0x2b: {  	s6 =	sld [smem:$0x3FAE]  }
0x2c: {  	s7 =	sld [smem:$0x3FAF]  }
0x2d: {  	s3 =	simm.s32 $0x108;
	s8 =	sld [smem:$0x3FB0]  }
0x2e: {  	s3 =	simm.s32 @!p0 $0x1082;
	s9 =	sld [smem:$0x3FB1]  }
0x2f: {  	lr =	sadd.s32 s0, s3;
	s0 =	sld [smem:$0x3FA8]  }
0x30: {  	s3 =	sld [smem:$0x3FAB]  }
0x31: {  	[smem:$0x3FB4] =	sst s10  }
0x32: {  	s10 =	sld [smem:$0x3FB2];
	_ =	sdelay $0x3  }
0x33: {  	p0 =	seq.s32 s10, $0x1;
	s10 =	sld [smem:$0x3FB4];
	_ =	sdelay $0x3  }
0x34: {  	[smem:$0x3FB4] =	sst s10  }
0x35: {  	s10 =	sld [smem:$0x3FB3];
	_ =	sdelay $0x3  }
0x36: {  	p1 =	seq.s32 s10, $0x1;
	s10 =	sld [smem:$0x3FB4];
	_ =	sdelay $0x3  }
0x37: {  	[smem:$0x3FB4] =	sst s10  }
0x38: {  	s10 =	sld [smem:$0x3FB5]  }
0x39: {  	_ = 	snop;
	(pc) =	sbr.ind lr, $3  }
0x3a: {  	_ = 	snop  }
0x3b: {  	_ = 	snop  }
0x3c: {  	p2 =	seq.s32 s10, $0x1;
	s10 =	sld [smem:$0x3FB4]  }
0x3d: {  	_ =	shalt  }
0x3e: {  	_ =	shalt  }
0x3f: {  	_ =	shalt  }
0x40: {  	_ =	shalt  }
0x41: {  	_ =	shalt  }
0x42: {  	_ =	shalt  }
0x43: {  	_ =	shalt  }
0x44: {  	_ =	shalt  }
0x45: {  	_ =	shalt  }
0x46: {  	_ =	shalt  }
0x47: {  	_ =	shalt  }
0x48: {  	_ =	shalt  }
0x49: {  	_ =	shalt  }
0x4a: {  	_ =	shalt  }
0x4b: {  	_ =	shalt  }
0x4c: {  	_ =	shalt  }
0x4d: {  	_ =	shalt  }
0x4e: {  	_ =	shalt  }
0x4f: {  	_ =	shalt  }
0x50: {  	_ =	shalt  }
0x51: {  	_ =	shalt  }
0x52: {  	_ =	shalt  }
0x53: {  	_ =	shalt  }
0x54: {  	_ =	shalt  }
0x55: {  	_ =	shalt  }
0x56: {  	_ =	shalt  }
0x57: {  	_ =	shalt  }
0x58: {  	_ =	shalt  }
0x59: {  	_ =	shalt  }
0x5a: {  	_ =	shalt  }
0x5b: {  	_ =	shalt  }
0x5c: {  	_ =	shalt  }
0x5d: {  	_ =	shalt  }
0x5e: {  	_ =	shalt  }
0x5f: {  	_ =	shalt  }
0x60: {  	_ =	shalt  }
0x61: {  	_ =	shalt  }
0x62: {  	_ =	shalt  }
0x63: {  	_ =	shalt  }
0x64: {  	_ =	shalt  }
0x65: {  	_ =	shalt  }
0x66: {  	_ =	shalt  }
0x67: {  	_ =	shalt  }
0x68: {  	_ =	shalt  }
0x69: {  	_ =	shalt  }
0x6a: {  	_ =	shalt  }
0x6b: {  	_ =	shalt  }
0x6c: {  	_ =	shalt  }
0x6d: {  	_ =	shalt  }
0x6e: {  	_ =	shalt  }
0x6f: {  	_ =	shalt  }
0x70: {  	_ =	shalt  }
0x71: {  	_ =	shalt  }
0x72: {  	_ =	shalt  }
0x73: {  	_ =	shalt  }
0x74: {  	_ =	shalt  }
0x75: {  	_ =	shalt  }
0x76: {  	_ =	shalt  }
0x77: {  	_ =	shalt  }
0x78: {  	_ =	shalt  }
0x79: {  	_ =	shalt  }
0x7a: {  	_ =	shalt  }
0x7b: {  	_ =	shalt  }
0x7c: {  	_ =	shalt  }
0x7d: {  	_ =	shalt  }
0x7e: {  	_ =	shalt  }
0x7f: {  	_ =	shalt  }
0x80: {  	_ =	shalt  }
0x81: {  	_ =	shalt  }
0x82: {  	_ =	shalt  }
0x83: {  	_ =	shalt  }
0x84: {  	_ =	shalt  }
0x85: {  	_ =	shalt  }
0x86: {  	_ =	shalt  }
0x87: {  	_ =	shalt  }
.Lfunc_end0:
.L_simem_size_0:
called_computation_lowered:
.L_overlay_start_0:
0x88: {  	s2 =	sld [smem:$0x3FD9]  }
0x89: {  	s3 =	sld [smem:$0x3FFE];
	_ =	sdelay $0x1  }
0x8a: {  	s1 =	srdreg.scid  }
0x8b: {  	s0 =	sand.u32 $0x1, s1  }
0x8c: {  	s17 =	sshll.u32 s0, $0xA;
	s2 =	sadd.s32 s3, s2  }
0x8d: {  	s2 =	sadd.s32 s2, s17  }
0x8e: {  	[smem:$0x3FC0] =	sst s2  }
0x8f: {  	_ = 	snop  }
0x90: {  	s2 =	sld [smem:$0x3FC9]  }
0x91: {  	s18 =	sld [smem:$0x3FC8]  }
0x92: {  	s4 =	sld [smem:$0x3FC7]  }
0x93: {  	s5 =	sld [smem:$0x3FC6]  }
0x94: {  	s6 =	sld [smem:$0x3FC3]  }
0x95: {  	s7 =	sld [smem:$0x3FC2];
	(tm) =	ssettm $0x1  }
0x96: {  	s8 =	sld [smem:$0x3FFB];
	_ =	sdelay $0x3  }
0x97: {  	_ =	strace s8  }
0x98: {  	s8 =	sld [smem:$0x3FFC];
	_ =	sdelay $0x3  }
0x99: {  	_ =	strace s8  }
0x9a: {  	s8 =	sld [smem:$0x3FFD];
	_ =	sdelay $0x3  }
0x9b: {  	_ =	strace s8  }
0x9c: {  	_ =	strace $0x8FFFFFFF  }
0x9d: {  	s19 =	sld [smem:$0x3FDB];
	_ =	sdelay $0x1  }
0x9e: {  	s9 =	simm.s32 $_scs_section_size  }
0x9f: {  	s10 =	simm.s32 $_size__tile_overlayer_lowered;
	s11 =	simm.s32 $_tile_overlayer_lowered  }
0xa0: {  	s22 =	simm.s32 $0x1BFF;
	s21 =	sshll.u32 s11, $0x1;
	s8 =	sadd.s32 s9, s19  }
0xa1: {  	s12 =	simm.s32 $0x0;
	s20 =	sshll.u32 s10, $0x1;
	s10 =	sadd.s32 s21, s8  }
0xa2: {  	[timem:s12], [sflag:s22] =	dma.local [hbm:s10], s20  }
0xa3: {  	_ =	swait.ge [sflag:s22], s20  }
0xa4: {  	s9 =	ssub.s32 $0x0, s20;
	[sflag:s22] =	ssyncset.done $0x0  }
0xa5: {  	[sflag:s22] =	ssyncadd.s32 s9;
	_ =	sdelay $0x1  }
0xa6: {  	s23 =	simm.s32 $0x1B8B  }
0xa7: {  	_ =	swait.ge [sflag:s23], $0x1  }
0xa8: {  	[sflag:s23] =	ssyncset.done $0x0  }
0xa9: {  	s25 =	simm.s32 $0x1B8E;
	s24 =	sld [smem:$0x3FFE];
	[sflag:s23] =	ssyncadd.s32 $0xFFFFFFFF  }
0xaa: {  	s26 =	simm.s32 $execute0_lowered;
	[smem:$0x3FD2] =	sst s25  }
0xab: {  	s10 =	sshll.u32 s26, $0x1;
	_ =	strace $0x80000046;
	[dreg:$0x1] =	wrdreg $0xFFFFFFFF  }
0xac: {  	s28 =	simm.s32 $_size_execute0_lowered;
	s8 =	sadd.s32 s8, s10;
	[dreg:$0x0] =	wrdreg $0x0  }
0xad: {  	s10 =	sshll.u32 s28, $0x1;
	[dreg:$0x2] =	wrdreg s8  }
0xae: {  	[dreg:$0x3] =	wrdreg s10  }
0xaf: {  	[dreg:$0x4] =	wrdreg $0xC0  }
0xb0: {  	_ =	task [dreg:s12], $0x5FFFF  }
0xb1: {  	[dreg:$0x1] =	wrdreg $0xFFFFFFFF  }
0xb2: {  	[dreg:$0x0] =	wrdreg $0x60  }
0xb3: {  	[dreg:$0x2] =	wrdreg s2  }
0xb4: {  	[dreg:$0x3] =	wrdreg s18  }
0xb5: {  	[dreg:$0x4] =	wrdreg s4  }
0xb6: {  	[dreg:$0x5] =	wrdreg s5  }
0xb7: {  	[dreg:$0x6] =	wrdreg s24  }
0xb8: {  	[dreg:$0x7] =	wrdreg s6  }
0xb9: {  	[dreg:$0x8] =	wrdreg s7  }
0xba: {  	[dreg:$0x9] =	wrdreg $0x10EA00  }
0xbb: {  	[dreg:$0xa] =	wrdreg $0x9  }
0xbc: {  	_ =	task.clear_ibuf [dreg:s12], $0xBFFFF;
	_ =	strace $0x90000046  }
0xbd: {  	s29 =	simm.s32 $0x9;
	_ =	strace $0x80000048  }
0xbe: {  	_ =	swait.ge [sflag:s29], $0x1  }
0xbf: {  	[sflag:s29] =	ssyncadd.s32 $0xFFFFFFFF  }
0xc0: {  	_ =	strace $0x90000048  }
0xc1: {  	_ =	sfence  }
0xc2: {  	s30 =	sld [smem:$0x0];
	_ =	sdelay $0x2  }
0xc3: {  	s31 =	sshll.u32 s1, $0xD;
	s1 =	sshrl.u32 s1, $0x2  }
0xc4: {  	s3 =	sand.u32 $0x4000, s31;
	s1 =	sadd.s32 s1, s30  }
0xc5: {  	s0 =	sor.u32 s3, s0;
	s1 =	sshll.u32 s1, $0x11  }
0xc6: {  	s0 =	sor.u32 s1, s0  }
0xc7: {  	s0 =	sadd.s32 $0x8F2B, s0  }
0xc8: {  	[sflag:s0] =	ssyncadd.remote.s32 $0x1  }
0xc9: {  	_ =	sfence.sel $0xFFFF  }
0xca: {  	[dreg:$0x0] =	wrdreg $0xFFFFFFFF;
	(pc) =	sbr.abs _section_cstart, $3  }
0xcb: {  	[dreg:$0x1] =	wrdreg $0xFFFFFFFF  }
0xcc: {  	_ =	task.clear_ibuf [dreg:s12], $0x2FFFF;
	_ =	strace $0x9FFFFFFF  }
0xcd: {  	(tm) =	ssettm $0x7FFFFFFF  }
tec
execute0_lowered:
.L_overlay_start_1:
0x0: {  	(tag) =	ssettag $0x1  }
0x1: {  	s0 =	rddreg [dreg:$0x0]  }
0x2: {  	s1 =	rddreg [dreg:$0x1]  }
0x3: {  	s9 =	rddreg [dreg:$0x2]  }
0x4: {  	s10 =	rddreg [dreg:$0x3]  }
0x5: {  	s7 =	rddreg [dreg:$0x4]  }
0x6: {  	s3 =	rddreg [dreg:$0x7]  }
0x7: {  	s4 =	simm.s32 $0x0;
	s8 =	srdreg.scid;
	s25 =	stileid.u32  }
0x8: {  	s17 =	simm.s32 $0x10A00;
	s18 =	simm.s32 $0x400;
	s19 =	simm.s32 $0x8400  }
0x9: {  	s20 =	simm.s32 $0x10400;
	s21 =	simm.s32 $0x10600;
	s22 =	simm.s32 $0x1  }
0xa: {  	s23 =	simm.s32 $0x2;
	s24 =	simm.s32 $0x3;
	s26 =	simm.s32 $0x10C00  }
0xb: {  	s28 =	simm.s32 $0x10D80;
	s29 =	simm.s32 $0x0;
	[smem:$0x7FF] =	sst s4  }
0xc: {  	v0 =	vlaneseq.u32;
	s5 =	sadd.s32 $0xF42800, s7;
	s6 =	sadd.s32 $0x16E3A00, s7;
	s8 =	sand.u32 $0x1, s8  }
0xd: {  	s14 =	sshll.u32 s25, $0x6;
	v0 =	vmul.u32 $0x18, v0;
	p0 =	sne.s32 s25, $0x0;
	s25 =	simm.s32 $0x4  }
0xe: {  	_ =	strace $0x80000047;
	s11 =	sshll.u32 s8, $0x1;
	s12 =	ssub.s32 $0x2, s8  }
0xf: {  	s8 =	sshll.u32 s8, $0xA;
	s31 =	sshrl.u32 s14, $0x2;
	s13 =	sshrl.u32 s12, $0x1;
	v1 =	vor.u32 $0x1, v0;
	v2 =	vor.u32 $0x2, v0;
	v3 =	vor.u32 $0x3, v0  }
0x10: {  	s15 =	sadd.s32 s11, s7;
	s30 =	sor.u32 s14, s8;
	s11 =	sadd.s32 s31, s3;
	v4 =	vor.u32 $0x4, v0;
	v5 =	vor.u32 $0x5, v0;
	v6 =	vor.u32 $0x6, v0  }
0x11: {  	s14 =	simm.s32 $0x5;
	v7 =	vor.u32 $0x7, v0;
	v8 =	vadd.s32 $0x8, v0;
	v9 =	vadd.s32 $0x9, v0;
	s13 =	ssub.s32 s12, s13;
	s7 =	sadd.s32 s0, s30  }
0x12: {  	v10 =	vadd.s32 $0xA, v0;
	v11 =	vadd.s32 $0xB, v0;
	v12 =	vadd.s32 $0xC, v0;
	s8 =	sadd.s32 s1, s30;
	s9 =	sadd.s32 s9, s30;
	s10 =	sadd.s32 s10, s30  }
0x13: {  	v13 =	vadd.s32 $0xD, v0;
	v14 =	vadd.s32 $0xE, v0;
	v15 =	vadd.s32 $0xF, v0;
	s12 =	sadd.s32 $0x400, s15;
	s15 =	simm.s32 $0x200;
	s13 =	smax.u32 s13, $0x1  }
.LBB2_1:
0x14: {  	[tilespmem:s4], [sflag:$0x5] =	stream.linear.gather [hbm4b:s7+s4], $0x200, $0x38;
	[tilespmem:$0x10EB0] =	vst v63  }
0x15: {  	_ =	swait.ge [sflag:s14], $0x200  }
0x16: {  	[sflag:s14] =	ssyncset.done $0x0  }
0x17: {  	[sflag:s14] =	ssyncadd.s32 $0xFFFFFE00  }
0x18: {  	[tilespmem:s15], [sflag:$0x5] =	stream.linear.gather [hbm4b:s8+s4], $0x200, $0x38;
	[tilespmem:$0x10EB0] =	vst v63  }
0x19: {  	_ =	swait.ge [sflag:s14], $0x200  }
0x1a: {  	[sflag:s14] =	ssyncset.done $0x0  }
0x1b: {  	s0 =	simm.s32 $0x10800;
	[sflag:s14] =	ssyncadd.s32 $0xFFFFFE00  }
0x1c: {  	[tilespmem:s0], [sflag:$0x5] =	stream.linear.gather [hbm4b:s9+s4], $0x200, $0x38;
	[tilespmem:$0x10EB0] =	vst v63  }
0x1d: {  	_ =	swait.ge [sflag:s14], $0x200  }
0x1e: {  	[sflag:s14] =	ssyncset.done $0x0  }
0x1f: {  	[sflag:s14] =	ssyncadd.s32 $0xFFFFFE00  }
0x20: {  	[tilespmem:s17], [sflag:$0x5] =	stream.linear.gather [hbm4b:s10+s4], $0x200, $0x38;
	[tilespmem:$0x10EB0] =	vst v63  }
0x21: {  	_ =	swait.ge [sflag:s14], $0x200  }
0x22: {  	[sflag:s14] =	ssyncset.done $0x0  }
0x23: {  	[sflag:s14] =	ssyncadd.s32 $0xFFFFFE00  }
0x24: {  	[tilespmem:s18], [sflag:$0x1] =	stream.indirect.gather [hbm4b:s5+s15], $0x40, s4, s15, $0xb8;
	[tilespmem:$0x10EB0] =	vst v63  }
0x25: {  	_ = 	snop  }
0x26: {  	[tilespmem:s19], [sflag:$0x2] =	stream.indirect.gather [hbm4b:s6+s15], $0x40, s15, s15, $0xb8;
	[tilespmem:$0x10EB0] =	vst v63  }
0x27: {  	s2 =	rddreg [dreg:$0x5]  }
0x28: {  	[tilespmem:s20], [sflag:$0x3] =	stream.indirect.gather [hbm4b:s2+s15], $0x1, s4, s15, $0xb8;
	[tilespmem:$0x10EB0] =	vst v63  }
0x29: {  	s16 =	rddreg [dreg:$0x6]  }
0x2a: {  	[tilespmem:s21], [sflag:$0x4] =	stream.indirect.gather [hbm4b:s16+s15], $0x1, s15, s15, $0xb8;
	[tilespmem:$0x10EB0] =	vst v63  }
0x2b: {  	_ =	swait.ge [sflag:s22], $0x8000  }
0x2c: {  	[sflag:s22] =	ssyncset.done $0x0  }
0x2d: {  	[sflag:s22] =	ssyncadd.s32 $0xFFFF8000  }
0x2e: {  	_ =	swait.ge [sflag:s23], $0x8000  }
0x2f: {  	[sflag:s23] =	ssyncset.done $0x0  }
0x30: {  	[sflag:s23] =	ssyncadd.s32 $0xFFFF8000  }
0x31: {  	_ =	swait.ge [sflag:s24], $0x200  }
0x32: {  	[sflag:s24] =	ssyncset.done $0x0  }
0x33: {  	[sflag:s24] =	ssyncadd.s32 $0xFFFFFE00  }
0x34: {  	_ =	swait.ge [sflag:s25], $0x200  }
0x35: {  	[sflag:s25] =	ssyncset.done $0x0  }
0x36: {  	s30 =	simm.s32 $0x600;
	[sflag:s25] =	ssyncadd.s32 $0xFFFFFE00  }
0x37: {  	s31 =	simm.s32 $0x8600;
	v16 =	vld [tilespmem:s30+$0xFFFFFE00]  }
0x38: {  	v17 =	vld [tilespmem:s31+$0xFFFFFE10]  }
0x39: {  	v18 =	vld [tilespmem:s30+$0xFFFFFE10]  }
0x3a: {  	v19 =	vld [tilespmem:s31+$0xFFFFFE00]  }
0x3b: {  	v20 =	vld [tilespmem:s31+$0xFFFFFE20]  }
0x3c: {  	v21 =	vld [tilespmem:s30+$0xFFFFFE20]  }
0x3d: {  	v22 =	vld [tilespmem:s31+$0xFFFFFE30]  }
0x3e: {  	v23 =	vld [tilespmem:s30+$0xFFFFFE30]  }
0x3f: {  	v17 =	vmul.f32 v17, v18;
	v16 =	vmul.f32 v19, v16;
	_ =	sdelay $0x1  }
0x40: {  	v16 =	vadd.f32 v17, v16;
	v17 =	vmul.f32 v20, v21;
	_ =	sdelay $0x1  }
0x41: {  	v16 =	vadd.f32 v17, v16;
	v17 =	vmul.f32 v22, v23;
	_ =	sdelay $0x1  }
0x42: {  	v16 =	vadd.f32 v17, v16;
	_ =	sdelay $0x1  }
0x43: {  	[tilespmem:$0x10C00] =	vst v16  }
0x44: {  	v16 =	vld [tilespmem:s31+$0xFFFFFE50]  }
0x45: {  	v17 =	vld [tilespmem:s30+$0xFFFFFE40]  }
0x46: {  	v18 =	vld [tilespmem:s30+$0xFFFFFE50]  }
0x47: {  	v19 =	vld [tilespmem:s31+$0xFFFFFE40]  }
0x48: {  	v44 =	vld [tilespmem:s31+$0xFFFFFE60]  }
0x49: {  	v45 =	vld [tilespmem:s30+$0xFFFFFE60]  }
0x4a: {  	v46 =	vld [tilespmem:s31+$0xFFFFFE70]  }
0x4b: {  	v47 =	vld [tilespmem:s30+$0xFFFFFE70]  }
0x4c: {  	v16 =	vmul.f32 v16, v18;
	v17 =	vmul.f32 v19, v17;
	_ =	sdelay $0x1  }
0x4d: {  	v16 =	vadd.f32 v16, v17;
	v17 =	vmul.f32 v44, v45;
	_ =	sdelay $0x1  }
0x4e: {  	v16 =	vadd.f32 v17, v16;
	v17 =	vmul.f32 v46, v47;
	_ =	sdelay $0x1  }
0x4f: {  	v16 =	vadd.f32 v17, v16;
	_ =	sdelay $0x1  }
0x50: {  	[tilespmem:$0x10C18] =	vst v16  }
0x51: {  	v16 =	vld [tilespmem:s30+$0xFFFFFE80]  }
0x52: {  	v17 =	vld [tilespmem:s31+$0xFFFFFE80]  }
0x53: {  	v18 =	vld [tilespmem:s31+$0xFFFFFE90]  }
0x54: {  	v19 =	vld [tilespmem:s30+$0xFFFFFE90]  }
0x55: {  	v48 =	vld [tilespmem:s31+$0xFFFFFEA0]  }
0x56: {  	v49 =	vld [tilespmem:s30+$0xFFFFFEA0]  }
0x57: {  	v50 =	vld [tilespmem:s31+$0xFFFFFEB0]  }
0x58: {  	v51 =	vld [tilespmem:s30+$0xFFFFFEB0]  }
0x59: {  	v16 =	vmul.f32 v17, v16;
	v17 =	vmul.f32 v18, v19;
	_ =	sdelay $0x1  }
0x5a: {  	v16 =	vadd.f32 v17, v16;
	v17 =	vmul.f32 v48, v49;
	_ =	sdelay $0x1  }
0x5b: {  	v16 =	vadd.f32 v17, v16;
	v17 =	vmul.f32 v50, v51;
	_ =	sdelay $0x1  }
0x5c: {  	v16 =	vadd.f32 v17, v16;
	_ =	sdelay $0x1  }
0x5d: {  	[tilespmem:$0x10C30] =	vst v16  }
0x5e: {  	v16 =	vld [tilespmem:s31+$0xFFFFFEC0]  }
0x5f: {  	v17 =	vld [tilespmem:s30+$0xFFFFFEC0]  }
0x60: {  	v18 =	vld [tilespmem:s30+$0xFFFFFED0]  }
0x61: {  	v19 =	vld [tilespmem:s31+$0xFFFFFED0]  }
0x62: {  	v52 =	vld [tilespmem:s31+$0xFFFFFEE0]  }
0x63: {  	v53 =	vld [tilespmem:s30+$0xFFFFFEE0]  }
0x64: {  	v54 =	vld [tilespmem:s31+$0xFFFFFEF0]  }
0x65: {  	v55 =	vld [tilespmem:s30+$0xFFFFFEF0]  }
0x66: {  	v16 =	vmul.f32 v16, v17;
	v17 =	vmul.f32 v19, v18;
	_ =	sdelay $0x1  }
0x67: {  	v16 =	vadd.f32 v17, v16;
	v17 =	vmul.f32 v52, v53;
	_ =	sdelay $0x1  }
0x68: {  	v16 =	vadd.f32 v17, v16;
	v17 =	vmul.f32 v54, v55;
	_ =	sdelay $0x1  }
0x69: {  	v16 =	vadd.f32 v17, v16;
	_ =	sdelay $0x1  }
0x6a: {  	[tilespmem:$0x10C48] =	vst v16  }
0x6b: {  	v16 =	vld [tilespmem:s31+$0xFFFFFF10]  }
0x6c: {  	v17 =	vld [tilespmem:s30+$0xFFFFFF00]  }
0x6d: {  	v18 =	vld [tilespmem:s31+$0xFFFFFF00]  }
0x6e: {  	v19 =	vld [tilespmem:s30+$0xFFFFFF10]  }
0x6f: {  	v56 =	vld [tilespmem:s31+$0xFFFFFF20]  }
0x70: {  	v57 =	vld [tilespmem:s30+$0xFFFFFF20]  }
0x71: {  	v58 =	vld [tilespmem:s31+$0xFFFFFF30]  }
0x72: {  	v59 =	vld [tilespmem:s30+$0xFFFFFF30]  }
0x73: {  	v17 =	vmul.f32 v18, v17;
	v16 =	vmul.f32 v16, v19;
	_ =	sdelay $0x1  }
0x74: {  	v16 =	vadd.f32 v16, v17;
	v17 =	vmul.f32 v56, v57;
	_ =	sdelay $0x1  }
0x75: {  	v16 =	vadd.f32 v17, v16;
	v17 =	vmul.f32 v58, v59;
	_ =	sdelay $0x1  }
0x76: {  	v16 =	vadd.f32 v17, v16;
	_ =	sdelay $0x1  }
0x77: {  	[tilespmem:$0x10C60] =	vst v16  }
0x78: {  	v16 =	vld [tilespmem:s31+$0xFFFFFF50]  }
0x79: {  	v17 =	vld [tilespmem:s30+$0xFFFFFF40]  }
0x7a: {  	v18 =	vld [tilespmem:s31+$0xFFFFFF40]  }
0x7b: {  	v19 =	vld [tilespmem:s30+$0xFFFFFF50]  }
0x7c: {  	v60 =	vld [tilespmem:s31+$0xFFFFFF60]  }
0x7d: {  	v61 =	vld [tilespmem:s30+$0xFFFFFF60]  }
0x7e: {  	v62 =	vld [tilespmem:s31+$0xFFFFFF70]  }
0x7f: {  	v63 =	vld [tilespmem:s30+$0xFFFFFF70]  }
0x80: {  	v17 =	vmul.f32 v18, v17;
	v16 =	vmul.f32 v16, v19;
	_ =	sdelay $0x1  }
0x81: {  	v16 =	vadd.f32 v16, v17;
	v17 =	vmul.f32 v60, v61;
	_ =	sdelay $0x1  }
0x82: {  	v16 =	vadd.f32 v17, v16;
	v17 =	vmul.f32 v62, v63;
	_ =	sdelay $0x1  }
0x83: {  	v16 =	vadd.f32 v17, v16;
	_ =	sdelay $0x1  }
0x84: {  	[tilespmem:$0x10C78] =	vst v16  }
0x85: {  	v16 =	vld [tilespmem:s31+$0xFFFFFF80]  }
0x86: {  	v17 =	vld [tilespmem:s31+$0xFFFFFF90]  }
0x87: {  	v18 =	vld [tilespmem:s30+$0xFFFFFF90]  }
0x88: {  	v19 =	vld [tilespmem:s30+$0xFFFFFF80]  }
0x89: {  	v24 =	vld [tilespmem:s31+$0xFFFFFFA0]  }
0x8a: {  	v25 =	vld [tilespmem:s30+$0xFFFFFFA0]  }
0x8b: {  	v26 =	vld [tilespmem:s31+$0xFFFFFFB0]  }
0x8c: {  	v27 =	vld [tilespmem:s30+$0xFFFFFFB0]  }
0x8d: {  	v17 =	vmul.f32 v17, v18;
	v16 =	vmul.f32 v16, v19;
	_ =	sdelay $0x1  }
0x8e: {  	v16 =	vadd.f32 v17, v16;
	v17 =	vmul.f32 v24, v25;
	_ =	sdelay $0x1  }
0x8f: {  	v16 =	vadd.f32 v17, v16;
	v17 =	vmul.f32 v26, v27;
	_ =	sdelay $0x1  }
0x90: {  	v16 =	vadd.f32 v17, v16;
	_ =	sdelay $0x1  }
0x91: {  	[tilespmem:$0x10C90] =	vst v16  }
0x92: {  	v16 =	vld [tilespmem:s31+$0xFFFFFFD0]  }
0x93: {  	v17 =	vld [tilespmem:s31+$0xFFFFFFC0]  }
0x94: {  	v18 =	vld [tilespmem:s30+$0xFFFFFFC0]  }
0x95: {  	v19 =	vld [tilespmem:s30+$0xFFFFFFD0]  }
0x96: {  	v28 =	vld [tilespmem:s31+$0xFFFFFFE0]  }
0x97: {  	v29 =	vld [tilespmem:s30+$0xFFFFFFE0]  }
0x98: {  	v30 =	vld [tilespmem:s31+$0xFFFFFFF0]  }
0x99: {  	v31 =	vld [tilespmem:s30+$0xFFFFFFF0]  }
0x9a: {  	v17 =	vmul.f32 v17, v18;
	v16 =	vmul.f32 v16, v19;
	_ =	sdelay $0x1  }
0x9b: {  	v16 =	vadd.f32 v16, v17;
	v17 =	vmul.f32 v28, v29;
	_ =	sdelay $0x1  }
0x9c: {  	v16 =	vadd.f32 v17, v16;
	v17 =	vmul.f32 v30, v31;
	_ =	sdelay $0x1  }
0x9d: {  	v16 =	vadd.f32 v17, v16;
	_ =	sdelay $0x1  }
0x9e: {  	[tilespmem:$0x10CA8] =	vst v16  }
0x9f: {  	v16 =	vld [tilespmem:s31+$0x0]  }
0xa0: {  	v17 =	vld [tilespmem:s31+$0x10]  }
0xa1: {  	v18 =	vld [tilespmem:s30+$0x0]  }
0xa2: {  	v19 =	vld [tilespmem:s30+$0x10]  }
0xa3: {  	v32 =	vld [tilespmem:s31+$0x20]  }
0xa4: {  	v33 =	vld [tilespmem:s30+$0x20]  }
0xa5: {  	v34 =	vld [tilespmem:s31+$0x30]  }
0xa6: {  	v35 =	vld [tilespmem:s30+$0x30]  }
0xa7: {  	v16 =	vmul.f32 v16, v18;
	v17 =	vmul.f32 v17, v19;
	_ =	sdelay $0x1  }
0xa8: {  	v16 =	vadd.f32 v17, v16;
	v17 =	vmul.f32 v32, v33;
	_ =	sdelay $0x1  }
0xa9: {  	v16 =	vadd.f32 v17, v16;
	v17 =	vmul.f32 v34, v35;
	_ =	sdelay $0x1  }
0xaa: {  	v16 =	vadd.f32 v17, v16;
	_ =	sdelay $0x1  }
0xab: {  	[tilespmem:$0x10CC0] =	vst v16  }
0xac: {  	v16 =	vld [tilespmem:s31+$0x40]  }
0xad: {  	v17 =	vld [tilespmem:s31+$0x50]  }
0xae: {  	v18 =	vld [tilespmem:s30+$0x40]  }
0xaf: {  	v19 =	vld [tilespmem:s30+$0x50]  }
0xb0: {  	v36 =	vld [tilespmem:s30+$0x60]  }
0xb1: {  	v37 =	vld [tilespmem:s31+$0x60]  }
0xb2: {  	v38 =	vld [tilespmem:s30+$0x70]  }
0xb3: {  	v39 =	vld [tilespmem:s31+$0x70]  }
0xb4: {  	v16 =	vmul.f32 v16, v18;
	v17 =	vmul.f32 v17, v19;
	_ =	sdelay $0x1  }
0xb5: {  	v16 =	vadd.f32 v17, v16;
	v17 =	vmul.f32 v37, v36;
	_ =	sdelay $0x1  }
0xb6: {  	v16 =	vadd.f32 v17, v16;
	v17 =	vmul.f32 v39, v38;
	_ =	sdelay $0x1  }
0xb7: {  	v16 =	vadd.f32 v17, v16;
	_ =	sdelay $0x1  }
0xb8: {  	[tilespmem:$0x10CD8] =	vst v16  }
0xb9: {  	v16 =	vld [tilespmem:s31+$0x80]  }
0xba: {  	v17 =	vld [tilespmem:s31+$0x90]  }
0xbb: {  	v18 =	vld [tilespmem:s30+$0x80]  }
0xbc: {  	v19 =	vld [tilespmem:s30+$0x90]  }
0xbd: {  	v40 =	vld [tilespmem:s30+$0xA0]  }
0xbe: {  	v41 =	vld [tilespmem:s31+$0xA0]  }
0xbf: {  	v42 =	vld [tilespmem:s30+$0xB0]  }
0xc0: {  	v43 =	vld [tilespmem:s31+$0xB0]  }
0xc1: {  	v16 =	vmul.f32 v16, v18;
	v17 =	vmul.f32 v17, v19;
	_ =	sdelay $0x1  }
0xc2: {  	v16 =	vadd.f32 v17, v16;
	v17 =	vmul.f32 v41, v40;
	_ =	sdelay $0x1  }
0xc3: {  	v16 =	vadd.f32 v17, v16;
	v17 =	vmul.f32 v43, v42;
	_ =	sdelay $0x1  }
0xc4: {  	v16 =	vadd.f32 v17, v16;
	_ =	sdelay $0x1  }
0xc5: {  	[tilespmem:$0x10CF0] =	vst v16  }
0xc6: {  	v16 =	vld [tilespmem:s31+$0xC0]  }
0xc7: {  	v17 =	vld [tilespmem:s31+$0xD0]  }
0xc8: {  	v18 =	vld [tilespmem:s30+$0xC0]  }
0xc9: {  	v19 =	vld [tilespmem:s30+$0xD0]  }
0xca: {  	v44 =	vld [tilespmem:s30+$0xE0]  }
0xcb: {  	v45 =	vld [tilespmem:s31+$0xE0]  }
0xcc: {  	v46 =	vld [tilespmem:s30+$0xF0]  }
0xcd: {  	v47 =	vld [tilespmem:s31+$0xF0]  }
0xce: {  	v16 =	vmul.f32 v16, v18;
	v17 =	vmul.f32 v17, v19;
	_ =	sdelay $0x1  }
0xcf: {  	v16 =	vadd.f32 v17, v16;
	v17 =	vmul.f32 v45, v44;
	_ =	sdelay $0x1  }
0xd0: {  	v16 =	vadd.f32 v17, v16;
	v17 =	vmul.f32 v47, v46;
	_ =	sdelay $0x1  }
0xd1: {  	v16 =	vadd.f32 v17, v16;
	_ =	sdelay $0x1  }
0xd2: {  	[tilespmem:$0x10D08] =	vst v16  }
0xd3: {  	v16 =	vld [tilespmem:s31+$0x100]  }
0xd4: {  	v17 =	vld [tilespmem:s31+$0x110]  }
0xd5: {  	v18 =	vld [tilespmem:s30+$0x100]  }
0xd6: {  	v19 =	vld [tilespmem:s30+$0x110]  }
0xd7: {  	v48 =	vld [tilespmem:s30+$0x120]  }
0xd8: {  	v49 =	vld [tilespmem:s31+$0x120]  }
0xd9: {  	v50 =	vld [tilespmem:s30+$0x130]  }
0xda: {  	v51 =	vld [tilespmem:s31+$0x130]  }
0xdb: {  	v16 =	vmul.f32 v16, v18;
	v17 =	vmul.f32 v17, v19;
	_ =	sdelay $0x1  }
0xdc: {  	v16 =	vadd.f32 v17, v16;
	v17 =	vmul.f32 v49, v48;
	_ =	sdelay $0x1  }
0xdd: {  	v16 =	vadd.f32 v17, v16;
	v17 =	vmul.f32 v51, v50;
	_ =	sdelay $0x1  }
0xde: {  	v16 =	vadd.f32 v17, v16;
	_ =	sdelay $0x1  }
0xdf: {  	[tilespmem:$0x10D20] =	vst v16  }
0xe0: {  	v16 =	vld [tilespmem:s31+$0x140]  }
0xe1: {  	v17 =	vld [tilespmem:s31+$0x150]  }
0xe2: {  	v18 =	vld [tilespmem:s30+$0x140]  }
0xe3: {  	v19 =	vld [tilespmem:s30+$0x150]  }
0xe4: {  	v52 =	vld [tilespmem:s30+$0x160]  }
0xe5: {  	v53 =	vld [tilespmem:s31+$0x160]  }
0xe6: {  	v54 =	vld [tilespmem:s30+$0x170]  }
0xe7: {  	v55 =	vld [tilespmem:s31+$0x170]  }
0xe8: {  	v16 =	vmul.f32 v16, v18;
	v17 =	vmul.f32 v17, v19;
	_ =	sdelay $0x1  }
0xe9: {  	v16 =	vadd.f32 v17, v16;
	v17 =	vmul.f32 v53, v52;
	_ =	sdelay $0x1  }
0xea: {  	v16 =	vadd.f32 v17, v16;
	v17 =	vmul.f32 v55, v54;
	_ =	sdelay $0x1  }
0xeb: {  	v16 =	vadd.f32 v17, v16;
	_ =	sdelay $0x1  }
0xec: {  	[tilespmem:$0x10D38] =	vst v16  }
0xed: {  	v16 =	vld [tilespmem:s31+$0x180]  }
0xee: {  	v17 =	vld [tilespmem:s31+$0x190]  }
0xef: {  	v18 =	vld [tilespmem:s30+$0x190]  }
0xf0: {  	v19 =	vld [tilespmem:s30+$0x180]  }
0xf1: {  	v56 =	vld [tilespmem:s30+$0x1A0]  }
0xf2: {  	v57 =	vld [tilespmem:s31+$0x1A0]  }
0xf3: {  	v58 =	vld [tilespmem:s30+$0x1B0]  }
0xf4: {  	v59 =	vld [tilespmem:s31+$0x1B0]  }
0xf5: {  	v17 =	vmul.f32 v17, v18;
	v16 =	vmul.f32 v16, v19;
	_ =	sdelay $0x1  }
0xf6: {  	v16 =	vadd.f32 v17, v16;
	v17 =	vmul.f32 v57, v56;
	_ =	sdelay $0x1  }
0xf7: {  	v16 =	vadd.f32 v17, v16;
	v17 =	vmul.f32 v59, v58;
	_ =	sdelay $0x1  }
0xf8: {  	v16 =	vadd.f32 v17, v16;
	_ =	sdelay $0x1  }
0xf9: {  	[tilespmem:$0x10D50] =	vst v16  }
0xfa: {  	v16 =	vld [tilespmem:s30+$0x1C0]  }
0xfb: {  	v17 =	vld [tilespmem:s31+$0x1C0]  }
0xfc: {  	v18 =	vld [tilespmem:s31+$0x1D0]  }
0xfd: {  	v19 =	vld [tilespmem:s30+$0x1D0]  }
0xfe: {  	v60 =	vld [tilespmem:s30+$0x1E0]  }
0xff: {  	v61 =	vld [tilespmem:s31+$0x1E0]  }
0x100: {  	v62 =	vld [tilespmem:s30+$0x1F0]  }
0x101: {  	v63 =	vld [tilespmem:s31+$0x1F0]  }
0x102: {  	v16 =	vmul.f32 v17, v16;
	v17 =	vmul.f32 v18, v19;
	_ =	sdelay $0x1  }
0x103: {  	v16 =	vadd.f32 v17, v16;
	v17 =	vmul.f32 v61, v60;
	_ =	sdelay $0x1  }
0x104: {  	v16 =	vadd.f32 v17, v16;
	v17 =	vmul.f32 v63, v62;
	_ =	sdelay $0x1  }
0x105: {  	v16 =	vadd.f32 v17, v16;
	_ =	sdelay $0x1  }
0x106: {  	[tilespmem:$0x10D68] =	vst v16  }
0x107: {  	s1 =	simm.s32 $0x40;
	s0 =	simm.s32 $0x0;
	v16 =	vimm.f32 $0.0e+00;
	v17 =	vld.idx.msk [tilespmem:v0+s26+$0x0], $0xffff  }
.LBB2_2:
0x108: {  	p1 =	sne.s32 s1, $0x7C0;
	v18 =	vld.idx.msk [tilespmem:v1+s26+$0x0], $0xffff;
	s30 =	sadd.s32 $0x400, s30;
	s31 =	sadd.s32 $0x400, s31  }
0x109: {  	s2 =	smov.u32 s1;
	s1 =	sadd.s32 $0x40, s1;
	v19 =	vld.idx.msk [tilespmem:v2+s26+$0x0], $0xffff  }
0x10a: {  	v20 =	vld.idx.msk [tilespmem:v3+s26+$0x0], $0xffff  }
0x10b: {  	v21 =	vld.idx.msk [tilespmem:v4+s26+$0x0], $0xffff  }
0x10c: {  	v22 =	vld.idx.msk [tilespmem:v5+s26+$0x0], $0xffff  }
0x10d: {  	v23 =	vld.idx.msk [tilespmem:v6+s26+$0x0], $0xffff  }
0x10e: {  	v17 =	vadd.f32 v18, v17;
	v18 =	vld.idx.msk [tilespmem:v7+s26+$0x0], $0xffff  }
0x10f: {  	v24 =	vld.idx.msk [tilespmem:v8+s26+$0x0], $0xffff  }
0x110: {  	v17 =	vadd.f32 v19, v17;
	v19 =	vld.idx.msk [tilespmem:v9+s26+$0x0], $0xffff  }
0x111: {  	v25 =	vld.idx.msk [tilespmem:v10+s26+$0x0], $0xffff  }
0x112: {  	v17 =	vadd.f32 v20, v17;
	v20 =	vld.idx.msk [tilespmem:v11+s26+$0x0], $0xffff  }
0x113: {  	v26 =	vld [tilespmem:s30+$0xFFFFFE00]  }
0x114: {  	v17 =	vadd.f32 v21, v17;
	v27 =	vld [tilespmem:s31+$0xFFFFFE10]  }
0x115: {  	v21 =	vld [tilespmem:s30+$0xFFFFFE10]  }
0x116: {  	v17 =	vadd.f32 v22, v17;
	v28 =	vld [tilespmem:s31+$0xFFFFFE00]  }
0x117: {  	v22 =	vld [tilespmem:s31+$0xFFFFFE20]  }
0x118: {  	v17 =	vadd.f32 v23, v17;
	v29 =	vld [tilespmem:s30+$0xFFFFFE20]  }
0x119: {  	v23 =	vld [tilespmem:s31+$0xFFFFFE30]  }
0x11a: {  	v17 =	vadd.f32 v18, v17;
	v21 =	vmul.f32 v27, v21;
	v27 =	vld [tilespmem:s30+$0xFFFFFE30]  }
0x11b: {  	v18 =	vmul.f32 v28, v26;
	v26 =	vld.idx.msk [tilespmem:v12+s26+$0x0], $0xffff  }
0x11c: {  	v17 =	vadd.f32 v24, v17;
	v24 =	vld.idx.msk [tilespmem:v13+s26+$0x0], $0xffff  }
0x11d: {  	v18 =	vadd.f32 v21, v18;
	v21 =	vmul.f32 v22, v29;
	v22 =	vld.idx.msk [tilespmem:v14+s26+$0x0], $0xffff  }
0x11e: {  	s16 =	sshra.s32 s0, $0x2;
	s0 =	smov.u32 s2;
	v17 =	vadd.f32 v19, v17;
	v19 =	vld.idx.msk [tilespmem:v15+s26+$0x0], $0xffff  }
0x11f: {  	v18 =	vadd.f32 v21, v18;
	v21 =	vmul.f32 v23, v27;
	v23 =	vld [tilespmem:s16+$0x10400]  }
0x120: {  	v17 =	vadd.f32 v25, v17;
	v25 =	vld [tilespmem:s16+$0x10600]  }
0x121: {  	v18 =	vadd.f32 v21, v18;
	v21 =	vld [tilespmem:s16+$0x10800]  }
0x122: {  	v17 =	vadd.f32 v20, v17;
	v20 =	vld [tilespmem:s16+$0x10A00]  }
0x123: {  	[tilespmem:$0x10C00] =	vst v18  }
0x124: {  	v17 =	vadd.f32 v26, v17;
	v18 =	vld [tilespmem:s31+$0xFFFFFE50]  }
0x125: {  	v26 =	vld [tilespmem:s30+$0xFFFFFE40]  }
0x126: {  	v17 =	vadd.f32 v24, v17;
	v27 =	vld [tilespmem:s30+$0xFFFFFE50]  }
0x127: {  	v24 =	vld [tilespmem:s31+$0xFFFFFE40]  }
0x128: {  	v17 =	vadd.f32 v22, v17;
	v28 =	vld [tilespmem:s31+$0xFFFFFE60]  }
0x129: {  	v22 =	vld [tilespmem:s30+$0xFFFFFE60]  }
0x12a: {  	v17 =	vadd.f32 v19, v17;
	v29 =	vld [tilespmem:s31+$0xFFFFFE70]  }
0x12b: {  	v18 =	vmul.f32 v18, v27;
	v19 =	vld [tilespmem:s30+$0xFFFFFE70]  }
0x12c: {  	v17 =	vadd.f32 v23, v17;
	v24 =	vmul.f32 v24, v26;
	_ =	sdelay $0x1  }
0x12d: {  	v17 =	vadd.f32 v25, v17;
	v18 =	vadd.f32 v18, v24;
	v22 =	vmul.f32 v28, v22;
	_ =	sdelay $0x1  }
0x12e: {  	v17 =	vsub.f32 v17, v21;
	v18 =	vadd.f32 v22, v18;
	v19 =	vmul.f32 v29, v19;
	_ =	sdelay $0x1  }
0x12f: {  	v18 =	vadd.f32 v19, v18;
	v19 =	vmul.f32 v17, v20;
	_ =	sdelay $0x1  }
0x130: {  	[tilespmem:$0x10C18] =	vst v18;
	v17 =	vmul.f32 v19, v17  }
0x131: {  	v18 =	vld [tilespmem:s30+$0xFFFFFE80]  }
0x132: {  	v19 =	vld [tilespmem:s31+$0xFFFFFE80];
	v16 =	vadd.f32 v17, v16  }
0x133: {  	v17 =	vld [tilespmem:s31+$0xFFFFFE90]  }
0x134: {  	v20 =	vld [tilespmem:s30+$0xFFFFFE90]  }
0x135: {  	v21 =	vld [tilespmem:s31+$0xFFFFFEA0]  }
0x136: {  	v22 =	vld [tilespmem:s30+$0xFFFFFEA0]  }
0x137: {  	v18 =	vmul.f32 v19, v18;
	v19 =	vld [tilespmem:s31+$0xFFFFFEB0]  }
0x138: {  	v23 =	vld [tilespmem:s30+$0xFFFFFEB0]  }
0x139: {  	v17 =	vmul.f32 v17, v20;
	_ =	sdelay $0x1  }
0x13a: {  	v17 =	vadd.f32 v17, v18;
	v18 =	vmul.f32 v21, v22;
	_ =	sdelay $0x1  }
0x13b: {  	v17 =	vadd.f32 v18, v17;
	v18 =	vmul.f32 v19, v23;
	_ =	sdelay $0x1  }
0x13c: {  	v17 =	vadd.f32 v18, v17;
	_ =	sdelay $0x1  }
0x13d: {  	[tilespmem:$0x10C30] =	vst v17  }
0x13e: {  	v17 =	vld [tilespmem:s31+$0xFFFFFEC0]  }
0x13f: {  	v18 =	vld [tilespmem:s30+$0xFFFFFEC0]  }
0x140: {  	v19 =	vld [tilespmem:s30+$0xFFFFFED0]  }
0x141: {  	v20 =	vld [tilespmem:s31+$0xFFFFFED0]  }
0x142: {  	v21 =	vld [tilespmem:s31+$0xFFFFFEE0]  }
0x143: {  	v22 =	vld [tilespmem:s30+$0xFFFFFEE0]  }
0x144: {  	v17 =	vmul.f32 v17, v18;
	v18 =	vld [tilespmem:s31+$0xFFFFFEF0]  }
0x145: {  	v23 =	vld [tilespmem:s30+$0xFFFFFEF0]  }
0x146: {  	v19 =	vmul.f32 v20, v19;
	_ =	sdelay $0x1  }
0x147: {  	v17 =	vadd.f32 v19, v17;
	v19 =	vmul.f32 v21, v22;
	_ =	sdelay $0x1  }
0x148: {  	v17 =	vadd.f32 v19, v17;
	v18 =	vmul.f32 v18, v23;
	_ =	sdelay $0x1  }
0x149: {  	v17 =	vadd.f32 v18, v17;
	_ =	sdelay $0x1  }
0x14a: {  	[tilespmem:$0x10C48] =	vst v17  }
0x14b: {  	v17 =	vld [tilespmem:s31+$0xFFFFFF10]  }
0x14c: {  	v18 =	vld [tilespmem:s30+$0xFFFFFF00]  }
0x14d: {  	v19 =	vld [tilespmem:s31+$0xFFFFFF00]  }
0x14e: {  	v20 =	vld [tilespmem:s30+$0xFFFFFF10]  }
0x14f: {  	v21 =	vld [tilespmem:s31+$0xFFFFFF20]  }
0x150: {  	v22 =	vld [tilespmem:s30+$0xFFFFFF20]  }
0x151: {  	v23 =	vld [tilespmem:s31+$0xFFFFFF30]  }
0x152: {  	v18 =	vmul.f32 v19, v18;
	v19 =	vld [tilespmem:s30+$0xFFFFFF30]  }
0x153: {  	v17 =	vmul.f32 v17, v20;
	_ =	sdelay $0x1  }
0x154: {  	v17 =	vadd.f32 v17, v18;
	v18 =	vmul.f32 v21, v22;
	_ =	sdelay $0x1  }
0x155: {  	v17 =	vadd.f32 v18, v17;
	v18 =	vmul.f32 v23, v19;
	_ =	sdelay $0x1  }
0x156: {  	v17 =	vadd.f32 v18, v17;
	_ =	sdelay $0x1  }
0x157: {  	[tilespmem:$0x10C60] =	vst v17  }
0x158: {  	v17 =	vld [tilespmem:s31+$0xFFFFFF50]  }
0x159: {  	v18 =	vld [tilespmem:s30+$0xFFFFFF40]  }
0x15a: {  	v19 =	vld [tilespmem:s31+$0xFFFFFF40]  }
0x15b: {  	v20 =	vld [tilespmem:s30+$0xFFFFFF50]  }
0x15c: {  	v21 =	vld [tilespmem:s31+$0xFFFFFF60]  }
0x15d: {  	v22 =	vld [tilespmem:s30+$0xFFFFFF60]  }
0x15e: {  	v23 =	vld [tilespmem:s31+$0xFFFFFF70]  }
0x15f: {  	v18 =	vmul.f32 v19, v18;
	v19 =	vld [tilespmem:s30+$0xFFFFFF70]  }
0x160: {  	v17 =	vmul.f32 v17, v20;
	_ =	sdelay $0x1  }
0x161: {  	v17 =	vadd.f32 v17, v18;
	v18 =	vmul.f32 v21, v22;
	_ =	sdelay $0x1  }
0x162: {  	v17 =	vadd.f32 v18, v17;
	v18 =	vmul.f32 v23, v19;
	_ =	sdelay $0x1  }
0x163: {  	v17 =	vadd.f32 v18, v17;
	_ =	sdelay $0x1  }
0x164: {  	[tilespmem:$0x10C78] =	vst v17  }
0x165: {  	v17 =	vld [tilespmem:s31+$0xFFFFFF80]  }
0x166: {  	v18 =	vld [tilespmem:s31+$0xFFFFFF90]  }
0x167: {  	v19 =	vld [tilespmem:s30+$0xFFFFFF90]  }
0x168: {  	v20 =	vld [tilespmem:s30+$0xFFFFFF80]  }
0x169: {  	v21 =	vld [tilespmem:s31+$0xFFFFFFA0]  }
0x16a: {  	v22 =	vld [tilespmem:s30+$0xFFFFFFA0]  }
0x16b: {  	v23 =	vld [tilespmem:s31+$0xFFFFFFB0]  }
0x16c: {  	v18 =	vmul.f32 v18, v19;
	v19 =	vld [tilespmem:s30+$0xFFFFFFB0]  }
0x16d: {  	v17 =	vmul.f32 v17, v20;
	_ =	sdelay $0x1  }
0x16e: {  	v17 =	vadd.f32 v18, v17;
	v18 =	vmul.f32 v21, v22;
	_ =	sdelay $0x1  }
0x16f: {  	v17 =	vadd.f32 v18, v17;
	v18 =	vmul.f32 v23, v19;
	_ =	sdelay $0x1  }
0x170: {  	v17 =	vadd.f32 v18, v17;
	_ =	sdelay $0x1  }
0x171: {  	[tilespmem:$0x10C90] =	vst v17  }
0x172: {  	v17 =	vld [tilespmem:s31+$0xFFFFFFD0]  }
0x173: {  	v18 =	vld [tilespmem:s31+$0xFFFFFFC0]  }
0x174: {  	v19 =	vld [tilespmem:s30+$0xFFFFFFC0]  }
0x175: {  	v20 =	vld [tilespmem:s30+$0xFFFFFFD0]  }
0x176: {  	v21 =	vld [tilespmem:s31+$0xFFFFFFE0]  }
0x177: {  	v22 =	vld [tilespmem:s30+$0xFFFFFFE0]  }
0x178: {  	v23 =	vld [tilespmem:s31+$0xFFFFFFF0]  }
0x179: {  	v18 =	vmul.f32 v18, v19;
	v19 =	vld [tilespmem:s30+$0xFFFFFFF0]  }
0x17a: {  	v17 =	vmul.f32 v17, v20;
	_ =	sdelay $0x1  }
0x17b: {  	v17 =	vadd.f32 v17, v18;
	v18 =	vmul.f32 v21, v22;
	_ =	sdelay $0x1  }
0x17c: {  	v17 =	vadd.f32 v18, v17;
	v18 =	vmul.f32 v23, v19;
	_ =	sdelay $0x1  }
0x17d: {  	v17 =	vadd.f32 v18, v17;
	_ =	sdelay $0x1  }
0x17e: {  	[tilespmem:$0x10CA8] =	vst v17  }
0x17f: {  	v17 =	vld [tilespmem:s31+$0x0]  }
0x180: {  	v18 =	vld [tilespmem:s31+$0x10]  }
0x181: {  	v19 =	vld [tilespmem:s30+$0x0]  }
0x182: {  	v20 =	vld [tilespmem:s30+$0x10]  }
0x183: {  	v21 =	vld [tilespmem:s31+$0x20]  }
0x184: {  	v22 =	vld [tilespmem:s30+$0x20]  }
0x185: {  	v23 =	vld [tilespmem:s31+$0x30]  }
0x186: {  	v17 =	vmul.f32 v17, v19;
	v19 =	vld [tilespmem:s30+$0x30]  }
0x187: {  	v18 =	vmul.f32 v18, v20;
	_ =	sdelay $0x1  }
0x188: {  	v17 =	vadd.f32 v18, v17;
	v18 =	vmul.f32 v21, v22;
	_ =	sdelay $0x1  }
0x189: {  	v17 =	vadd.f32 v18, v17;
	v18 =	vmul.f32 v23, v19;
	_ =	sdelay $0x1  }
0x18a: {  	v17 =	vadd.f32 v18, v17;
	_ =	sdelay $0x1  }
0x18b: {  	[tilespmem:$0x10CC0] =	vst v17  }
0x18c: {  	v17 =	vld [tilespmem:s31+$0x40]  }
0x18d: {  	v18 =	vld [tilespmem:s31+$0x50]  }
0x18e: {  	v19 =	vld [tilespmem:s30+$0x40]  }
0x18f: {  	v20 =	vld [tilespmem:s30+$0x50]  }
0x190: {  	v21 =	vld [tilespmem:s30+$0x60]  }
0x191: {  	v22 =	vld [tilespmem:s31+$0x60]  }
0x192: {  	v23 =	vld [tilespmem:s30+$0x70]  }
0x193: {  	v17 =	vmul.f32 v17, v19;
	v19 =	vld [tilespmem:s31+$0x70]  }
0x194: {  	v18 =	vmul.f32 v18, v20;
	_ =	sdelay $0x1  }
0x195: {  	v17 =	vadd.f32 v18, v17;
	v18 =	vmul.f32 v22, v21;
	_ =	sdelay $0x1  }
0x196: {  	v17 =	vadd.f32 v18, v17;
	v18 =	vmul.f32 v19, v23;
	_ =	sdelay $0x1  }
0x197: {  	v17 =	vadd.f32 v18, v17;
	_ =	sdelay $0x1  }
0x198: {  	[tilespmem:$0x10CD8] =	vst v17  }
0x199: {  	v17 =	vld [tilespmem:s31+$0x80]  }
0x19a: {  	v18 =	vld [tilespmem:s31+$0x90]  }
0x19b: {  	v19 =	vld [tilespmem:s30+$0x80]  }
0x19c: {  	v20 =	vld [tilespmem:s30+$0x90]  }
0x19d: {  	v21 =	vld [tilespmem:s30+$0xA0]  }
0x19e: {  	v22 =	vld [tilespmem:s31+$0xA0]  }
0x19f: {  	v23 =	vld [tilespmem:s30+$0xB0]  }
0x1a0: {  	v17 =	vmul.f32 v17, v19;
	v19 =	vld [tilespmem:s31+$0xB0]  }
0x1a1: {  	v18 =	vmul.f32 v18, v20;
	_ =	sdelay $0x1  }
0x1a2: {  	v17 =	vadd.f32 v18, v17;
	v18 =	vmul.f32 v22, v21;
	_ =	sdelay $0x1  }
0x1a3: {  	v17 =	vadd.f32 v18, v17;
	v18 =	vmul.f32 v19, v23;
	_ =	sdelay $0x1  }
0x1a4: {  	v17 =	vadd.f32 v18, v17;
	_ =	sdelay $0x1  }
0x1a5: {  	[tilespmem:$0x10CF0] =	vst v17  }
0x1a6: {  	v17 =	vld [tilespmem:s31+$0xC0]  }
0x1a7: {  	v18 =	vld [tilespmem:s31+$0xD0]  }
0x1a8: {  	v19 =	vld [tilespmem:s30+$0xC0]  }
0x1a9: {  	v20 =	vld [tilespmem:s30+$0xD0]  }
0x1aa: {  	v21 =	vld [tilespmem:s30+$0xE0]  }
0x1ab: {  	v22 =	vld [tilespmem:s31+$0xE0]  }
0x1ac: {  	v23 =	vld [tilespmem:s30+$0xF0]  }
0x1ad: {  	v17 =	vmul.f32 v17, v19;
	v19 =	vld [tilespmem:s31+$0xF0]  }
0x1ae: {  	v18 =	vmul.f32 v18, v20;
	_ =	sdelay $0x1  }
0x1af: {  	v17 =	vadd.f32 v18, v17;
	v18 =	vmul.f32 v22, v21;
	_ =	sdelay $0x1  }
0x1b0: {  	v17 =	vadd.f32 v18, v17;
	v18 =	vmul.f32 v19, v23;
	_ =	sdelay $0x1  }
0x1b1: {  	v17 =	vadd.f32 v18, v17;
	_ =	sdelay $0x1  }
0x1b2: {  	[tilespmem:$0x10D08] =	vst v17  }
0x1b3: {  	v17 =	vld [tilespmem:s31+$0x100]  }
0x1b4: {  	v18 =	vld [tilespmem:s31+$0x110]  }
0x1b5: {  	v19 =	vld [tilespmem:s30+$0x100]  }
0x1b6: {  	v20 =	vld [tilespmem:s30+$0x110]  }
0x1b7: {  	v21 =	vld [tilespmem:s30+$0x120]  }
0x1b8: {  	v22 =	vld [tilespmem:s31+$0x120]  }
0x1b9: {  	v23 =	vld [tilespmem:s30+$0x130]  }
0x1ba: {  	v17 =	vmul.f32 v17, v19;
	v19 =	vld [tilespmem:s31+$0x130]  }
0x1bb: {  	v18 =	vmul.f32 v18, v20;
	_ =	sdelay $0x1  }
0x1bc: {  	v17 =	vadd.f32 v18, v17;
	v18 =	vmul.f32 v22, v21;
	_ =	sdelay $0x1  }
0x1bd: {  	v17 =	vadd.f32 v18, v17;
	v18 =	vmul.f32 v19, v23;
	_ =	sdelay $0x1  }
0x1be: {  	v17 =	vadd.f32 v18, v17;
	_ =	sdelay $0x1  }
0x1bf: {  	[tilespmem:$0x10D20] =	vst v17  }
0x1c0: {  	v17 =	vld [tilespmem:s31+$0x140]  }
0x1c1: {  	v18 =	vld [tilespmem:s31+$0x150]  }
0x1c2: {  	v19 =	vld [tilespmem:s30+$0x140]  }
0x1c3: {  	v20 =	vld [tilespmem:s30+$0x150]  }
0x1c4: {  	v21 =	vld [tilespmem:s30+$0x160]  }
0x1c5: {  	v22 =	vld [tilespmem:s31+$0x160]  }
0x1c6: {  	v23 =	vld [tilespmem:s30+$0x170]  }
0x1c7: {  	v17 =	vmul.f32 v17, v19;
	v19 =	vld [tilespmem:s31+$0x170]  }
0x1c8: {  	v18 =	vmul.f32 v18, v20;
	_ =	sdelay $0x1  }
0x1c9: {  	v17 =	vadd.f32 v18, v17;
	v18 =	vmul.f32 v22, v21;
	_ =	sdelay $0x1  }
0x1ca: {  	v17 =	vadd.f32 v18, v17;
	v18 =	vmul.f32 v19, v23;
	_ =	sdelay $0x1  }
0x1cb: {  	v17 =	vadd.f32 v18, v17;
	_ =	sdelay $0x1  }
0x1cc: {  	[tilespmem:$0x10D38] =	vst v17  }
0x1cd: {  	v17 =	vld [tilespmem:s31+$0x180]  }
0x1ce: {  	v18 =	vld [tilespmem:s31+$0x190]  }
0x1cf: {  	v19 =	vld [tilespmem:s30+$0x190]  }
0x1d0: {  	v20 =	vld [tilespmem:s30+$0x180]  }
0x1d1: {  	v21 =	vld [tilespmem:s30+$0x1A0]  }
0x1d2: {  	v22 =	vld [tilespmem:s31+$0x1A0]  }
0x1d3: {  	v23 =	vld [tilespmem:s30+$0x1B0]  }
0x1d4: {  	v18 =	vmul.f32 v18, v19;
	v19 =	vld [tilespmem:s31+$0x1B0]  }
0x1d5: {  	v17 =	vmul.f32 v17, v20;
	_ =	sdelay $0x1  }
0x1d6: {  	v17 =	vadd.f32 v18, v17;
	v18 =	vmul.f32 v22, v21;
	_ =	sdelay $0x1  }
0x1d7: {  	v17 =	vadd.f32 v18, v17;
	v18 =	vmul.f32 v19, v23;
	_ =	sdelay $0x1  }
0x1d8: {  	v17 =	vadd.f32 v18, v17;
	_ =	sdelay $0x1  }
0x1d9: {  	[tilespmem:$0x10D50] =	vst v17  }
0x1da: {  	v17 =	vld [tilespmem:s30+$0x1C0]  }
0x1db: {  	v18 =	vld [tilespmem:s31+$0x1C0]  }
0x1dc: {  	v19 =	vld [tilespmem:s31+$0x1D0]  }
0x1dd: {  	v20 =	vld [tilespmem:s30+$0x1D0]  }
0x1de: {  	v21 =	vld [tilespmem:s30+$0x1E0]  }
0x1df: {  	v22 =	vld [tilespmem:s31+$0x1E0]  }
0x1e0: {  	v17 =	vmul.f32 v18, v17;
	v18 =	vld [tilespmem:s30+$0x1F0]  }
0x1e1: {  	v23 =	vld [tilespmem:s31+$0x1F0]  }
0x1e2: {  	v19 =	vmul.f32 v19, v20;
	_ =	sdelay $0x1  }
0x1e3: {  	v17 =	vadd.f32 v19, v17;
	v19 =	vmul.f32 v22, v21;
	_ =	sdelay $0x1  }
0x1e4: {  	v17 =	vadd.f32 v19, v17;
	v18 =	vmul.f32 v23, v18  }
.Ltmp0:
0x1e5: {  	(pc) =	sbr.rel @p1 .LBB2_2-.Ltmp0, $3  }
0x1e6: {  	v17 =	vadd.f32 v18, v17;
	_ =	sdelay $0x1  }
0x1e7: {  	[tilespmem:$0x10D68] =	vst v17  }
0x1e8: {  	v17 =	vld.idx.msk [tilespmem:v0+s26+$0x0], $0xffff  }
0x1e9: {  	_ =	sdelay $0x3  }
0x1ea: {  	v18 =	vld.idx.msk [tilespmem:v1+s26+$0x0], $0xffff;
	_ =	sdelay $0x1  }
0x1eb: {  	v19 =	vld.idx.msk [tilespmem:v2+s26+$0x0], $0xffff;
	_ =	sdelay $0x1  }
0x1ec: {  	v20 =	vld.idx.msk [tilespmem:v3+s26+$0x0], $0xffff  }
0x1ed: {  	v17 =	vadd.f32 v18, v17  }
0x1ee: {  	v48 =	vld.idx.msk [tilespmem:v4+s26+$0x0], $0xffff  }
0x1ef: {  	v17 =	vadd.f32 v19, v17  }
0x1f0: {  	v49 =	vld.idx.msk [tilespmem:v5+s26+$0x0], $0xffff  }
0x1f1: {  	v17 =	vadd.f32 v20, v17  }
0x1f2: {  	v50 =	vld.idx.msk [tilespmem:v6+s26+$0x0], $0xffff  }
0x1f3: {  	v17 =	vadd.f32 v48, v17  }
0x1f4: {  	v51 =	vld.idx.msk [tilespmem:v7+s26+$0x0], $0xffff  }
0x1f5: {  	v17 =	vadd.f32 v49, v17  }
0x1f6: {  	v52 =	vld.idx.msk [tilespmem:v8+s26+$0x0], $0xffff  }
0x1f7: {  	v17 =	vadd.f32 v50, v17  }
0x1f8: {  	v53 =	vld.idx.msk [tilespmem:v9+s26+$0x0], $0xffff  }
0x1f9: {  	v17 =	vadd.f32 v51, v17  }
0x1fa: {  	v54 =	vld.idx.msk [tilespmem:v10+s26+$0x0], $0xffff  }
0x1fb: {  	v17 =	vadd.f32 v52, v17  }
0x1fc: {  	v55 =	vld.idx.msk [tilespmem:v11+s26+$0x0], $0xffff  }
0x1fd: {  	v17 =	vadd.f32 v53, v17  }
0x1fe: {  	v56 =	vld.idx.msk [tilespmem:v12+s26+$0x0], $0xffff  }
0x1ff: {  	v17 =	vadd.f32 v54, v17  }
0x200: {  	v57 =	vld.idx.msk [tilespmem:v13+s26+$0x0], $0xffff  }
0x201: {  	v17 =	vadd.f32 v55, v17  }
0x202: {  	v58 =	vld.idx.msk [tilespmem:v14+s26+$0x0], $0xffff  }
0x203: {  	v17 =	vadd.f32 v56, v17  }
0x204: {  	v59 =	vld.idx.msk [tilespmem:v15+s26+$0x0], $0xffff  }
0x205: {  	s0 =	sshra.s32 s0, $0x2;
	v17 =	vadd.f32 v57, v17  }
0x206: {  	v60 =	vld [tilespmem:s0+$0x10400]  }
0x207: {  	v17 =	vadd.f32 v58, v17  }
0x208: {  	v61 =	vld [tilespmem:s0+$0x10600]  }
0x209: {  	v17 =	vadd.f32 v59, v17  }
0x20a: {  	v62 =	vld [tilespmem:s0+$0x10800]  }
0x20b: {  	v17 =	vadd.f32 v60, v17  }
0x20c: {  	v63 =	vld [tilespmem:s0+$0x10A00]  }
0x20d: {  	v17 =	vadd.f32 v61, v17;
	_ =	sdelay $0x1  }
0x20e: {  	v17 =	vsub.f32 v17, v62;
	_ =	sdelay $0x1  }
0x20f: {  	v18 =	vmul.f32 v17, v63;
	_ =	sdelay $0x1  }
0x210: {  	v17 =	vmul.f32 v18, v17;
	_ =	sdelay $0x1  }
0x211: {  	v16 =	vadd.f32 v17, v16;
	_ =	sdelay $0x1  }
0x212: {  	[tilespmem:$0x10D80] =	vst v16  }
0x213: {  	[spmem:s11] =	stream.linear.scatter [tilespmem:s28], [sflag:$0x5], $0x10, $0x38;
	[tilespmem:$0x10EB0] =	vst v63  }
0x214: {  	_ =	swait.ge [sflag:s14], $0x10  }
0x215: {  	[sflag:s14] =	ssyncset.done $0x0  }
0x216: {  	[sflag:s14] =	ssyncadd.s32 $0xFFFFFFF0  }
0x217: {  	s0 =	simm.s32 @!p0 $0x10D90;
	[bflag:$0x0] =	sbarrier.arrive $0xFFFF  }
0x218: {  	[tilespmem:s0], [sflag:$0x5] =	stream.linear.gather @!p0 [spmem:s3], $0x100, $0x38;
	[tilespmem:$0x10EB0] =	vst v63  }
0x219: {  	s0 =	simm.s32 @!p0 $0x5  }
0x21a: {  	_ =	swait.ge @!p0 [sflag:s0], $0x100  }
0x21b: {  	[sflag:s0] =	ssyncset.done @!p0 $0x0  }
0x21c: {  	[sflag:s0] =	ssyncadd.s32 @!p0 $0xFFFFFF00  }
0x21d: {  	v16 =	vld @!p0 [tilespmem:$0x10D90]  }
0x21e: {  	v17 =	vld @!p0 [tilespmem:$0x10DA0];
	_ =	sdelay $0x1  }
0x21f: {  	v18 =	vld @!p0 [tilespmem:$0x10DB0];
	_ =	sdelay $0x1  }
0x220: {  	v19 =	vld @!p0 [tilespmem:$0x10DC0]  }
0x221: {  	v16 =	vadd.f32 @!p0 v17, v16  }
0x222: {  	v17 =	vld @!p0 [tilespmem:$0x10DD0]  }
0x223: {  	v16 =	vadd.f32 @!p0 v18, v16  }
0x224: {  	v18 =	vld @!p0 [tilespmem:$0x10DE0]  }
0x225: {  	v16 =	vadd.f32 @!p0 v19, v16  }
0x226: {  	v19 =	vld @!p0 [tilespmem:$0x10DF0]  }
0x227: {  	v16 =	vadd.f32 @!p0 v17, v16  }
0x228: {  	v17 =	vld @!p0 [tilespmem:$0x10E00]  }
0x229: {  	v16 =	vadd.f32 @!p0 v18, v16  }
0x22a: {  	v18 =	vld @!p0 [tilespmem:$0x10E10]  }
0x22b: {  	v16 =	vadd.f32 @!p0 v19, v16  }
0x22c: {  	v19 =	vld @!p0 [tilespmem:$0x10E20]  }
0x22d: {  	v16 =	vadd.f32 @!p0 v17, v16  }
0x22e: {  	v17 =	vld @!p0 [tilespmem:$0x10E30]  }
0x22f: {  	v16 =	vadd.f32 @!p0 v18, v16  }
0x230: {  	v18 =	vld @!p0 [tilespmem:$0x10E40]  }
0x231: {  	v16 =	vadd.f32 @!p0 v19, v16  }
0x232: {  	v19 =	vld @!p0 [tilespmem:$0x10E50]  }
0x233: {  	v16 =	vadd.f32 @!p0 v17, v16  }
0x234: {  	v17 =	vld @!p0 [tilespmem:$0x10E60]  }
0x235: {  	v16 =	vadd.f32 @!p0 v18, v16  }
0x236: {  	v18 =	vld @!p0 [tilespmem:$0x10E70]  }
0x237: {  	v16 =	vadd.f32 @!p0 v19, v16  }
0x238: {  	v19 =	vld @!p0 [tilespmem:$0x10E80]  }
0x239: {  	v16 =	vadd.f32 @!p0 v17, v16;
	_ =	sdelay $0x1  }
0x23a: {  	v16 =	vadd.f32 @!p0 v18, v16;
	_ =	sdelay $0x1  }
0x23b: {  	v16 =	vadd.f32 @!p0 v19, v16;
	_ =	sdelay $0x1  }
0x23c: {  	(xrf2) =	vadd.scan.msk.f32 @!p0 $0xffff, v16;
	_ =	sdelay $0x9  }
0x23d: {  	v16, _, _ =	vpop @!p0 (xrf2)  }
0x23e: {  	s29 =	sadd.s32 $0x1, s29;
	v16 =	vbroadcast @!p0 v16, $0xF  }
0x23f: {  	p1 =	sne.s32 s29, s13  }
.Ltmp1:
0x240: {  	s1 =	simm.s32 @!p0 $0x0;
	s2 =	simm.s32 @!p0 $0x10E90;
	[tilespmem:$0x10E90] =	vst @!p0 v16;
	(pc) =	sbr.rel @p1 .LBB2_1-.Ltmp1, $4  }
0x241: {  	[hbm4b:s12+s1] =	stream.linear.scatter @!p0 [tilespmem:s2], [sflag:$0x5], $0x10, $0x38;
	[tilespmem:$0x10EB0] =	vst v63  }
0x242: {  	_ =	swait.ge @!p0 [sflag:s0], $0x10  }
0x243: {  	[sflag:s0] =	ssyncset.done @!p0 $0x0  }
0x244: {  	[sflag:s0] =	ssyncadd.s32 @!p0 $0xFFFFFFF0  }
0x245: {  	_ =	sfence.sel $0x180000  }
0x246: {  	[bflag:$0x0] =	sbarrier.arrive $0xFFFF  }
0x247: {  	_ =	strace $0x90000047  }
0x248: {  	[bflag:$0x2] =	sbarrier.arrive $0xFFFF  }
0x249: {  	s0 =	rddreg [dreg:$0x8]  }
0x24a: {  	s0 =	sadd.s32 @!p0 $0x100000, s0  }
0x24b: {  	[sflag:s0] =	ssyncadd.tile.s32 @!p0 $0x1;
	_ =	shalt  }
.Lfunc_end2:
_tile_overlayer_lowered:
.L_overlay_start_2:
0x24c: {  	(tag) =	ssettag $0x2  }
0x24d: {  	s0 =	rddreg [dreg:$0x0];
	s2 =	stileid.u32  }
0x24e: {  	s1 =	rddreg [dreg:$0x1];
	p0 =	sne.s32 s2, $0x0  }
0x24f: {  	s3 =	rddreg [dreg:$0x2];
	[bflag:$0x3] =	sbarrier.arrive $0xFFFF;
	s2 =	simm.s32 @!p0 $0x1C05  }
0x250: {  	[timem:s3], [sflag:s2] =	dma.local @!p0 [hbm:s0], s1  }
0x251: {  	s0 =	simm.s32 @!p0 $0x5  }
0x252: {  	_ =	swait.ge @!p0 [sflag:s0], s1  }
0x253: {  	s1 =	ssub.s32 @!p0 $0x0, s1;
	[sflag:s0] =	ssyncset.done @!p0 $0x0  }
0x254: {  	[sflag:s0] =	ssyncadd.s32 @!p0 s1  }
0x255: {  	[bflag:$0x3] =	sbarrier.arrive $0xFFFF  }
0x256: {  	_ =	shalt  }

</sc_bundles>
